<compile_context>
chip_gen: v7x
topology: tpu7x:2x2x1
jax: 0.10.2.dev20260603
libtpu: 0.0.44.dev20260713+nightly
codegen_flags: <defaults>
</compile_context>

<pallas_src>
import jax
import jax.numpy as jnp
from jax import lax
from jax.experimental import pallas as pl
from jax.experimental.pallas import tpu as pltpu
from jax.experimental.pallas import tpu_sc as plsc

B, T = 16384, 200
V, D = 10, 8
N = B * T
NW = 32
JB = B // 128 // NW
NCHUNK = T // 8
XC = JB * 1024
OC = XC * D
NBUF = 2


def _sc_embed(x_hbm, emb_hbm, out_hbm, x_v0, x_v1, o_v0, o_v1, emb_v,
              si0, si1, so0, so1):
    wid = lax.axis_index("s") * 2 + lax.axis_index("c")
    pltpu.sync_copy(emb_hbm, emb_v)
    tab = [emb_v[pl.ds(d * 16, 16)] for d in range(D)]
    xb = (x_v0, x_v1)
    ob = (o_v0, o_v1)
    si = (si0, si1)
    so = (so0, so1)

    def in_copy(ci, b):
        return pltpu.make_async_copy(
            x_hbm.at[pl.ds(ci * (128 * 1024) + wid * XC, XC)], xb[b], si[b])

    def out_copies(ci, b):
        return [
            pltpu.make_async_copy(
                ob[b].at[pl.ds(tr * XC, XC)],
                out_hbm.at[pl.ds(ci * (8 * 128 * 1024) + tr * (128 * 1024)
                                 + wid * XC, XC)],
                so[b])
            for tr in range(8)
        ]

    def process(ci, b):
        in_copy(ci, b).wait()

        @pl.when(ci >= NBUF)
        def _wait_out():
            for cp in out_copies(ci - NBUF, b):
                cp.wait()

        x_v = xb[b]
        o_v = ob[b]

        @plsc.parallel_loop(0, XC // 16, unroll=8)
        def _grp(q):
            xv = x_v[pl.ds(q * 16, 16)]
            off = ((q >> 3) & 7) * XC + (q >> 6) * 1024 + (q & 7) * 16
            for d in range(D):
                vals = jnp.take_along_axis(tab[d], xv, axis=0)
                o_v[pl.ds(off + d * 128, 16)] = vals

        for cp in out_copies(ci, b):
            cp.start()

        @pl.when(ci + NBUF < NCHUNK)
        def _next_in():
            in_copy(ci + NBUF, b).start()

    in_copy(0, 0).start()
    in_copy(1, 1).start()

    def pair(ci2, _):
        for b in range(NBUF):
            process(ci2 * NBUF + b, b)
        return 0

    lax.fori_loop(0, (NCHUNK - 1) // NBUF, pair, 0)
    process(NCHUNK - 1, 0)
    for cp in out_copies(NCHUNK - 2, 1):
        cp.wait()
    for cp in out_copies(NCHUNK - 1, 0):
        cp.wait()


def kernel(x, emb):
    xr = (x.astype(jnp.int32)
          .reshape(128, 128, 25, 8)
          .transpose(2, 0, 3, 1)
          .reshape(-1))
    ef = jnp.pad(emb.T, ((0, 0), (0, 6))).reshape(-1)
    mesh = plsc.VectorSubcoreMesh(core_axis_name="c", subcore_axis_name="s")
    run = pl.kernel(
        _sc_embed,
        out_type=jax.ShapeDtypeStruct((N * D,), jnp.float32),
        mesh=mesh,
        compiler_params=pltpu.CompilerParams(needs_layout_passes=False),
        scratch_types=[
            pltpu.VMEM((XC,), jnp.int32),
            pltpu.VMEM((XC,), jnp.int32),
            pltpu.VMEM((OC,), jnp.float32),
            pltpu.VMEM((OC,), jnp.float32),
            pltpu.VMEM((D * 16,), jnp.float32),
            pltpu.SemaphoreType.DMA,
            pltpu.SemaphoreType.DMA,
            pltpu.SemaphoreType.DMA,
            pltpu.SemaphoreType.DMA,
        ],
    )
    out = run(xr, ef)
    return (
        out.reshape(T, B // 128, D, 128)
        .transpose(1, 3, 0, 2)
        .reshape(B, T, D)
    )

# --- scband reference (transcript-rebuilt; emitter-appended) ---
"""Pipeline reference for scband-embedding-model-42073499632054 (READ-ONLY COPY).

The authoritative reference and input builder live on the scoring server;
editing this copy changes nothing except your own understanding.
"""

import jax, jax.numpy as jnp
import numpy as np

VOCAB_SIZE = 10
EMB_SIZE = 8

def setup_inputs(seed: int = 0) -> dict:
    key = jax.random.key(seed)
    k_idx, k_emb = jax.random.split(key)
    x = jax.random.randint(k_idx, (16384, 200), 0, VOCAB_SIZE, dtype=jnp.int64 if jax.config.jax_enable_x64 else jnp.int32)
    emb = jax.random.normal(k_emb, (VOCAB_SIZE, EMB_SIZE), dtype=jnp.float32)
    return {"x": x, "emb": emb}

def reference(x, emb):
    # nn.Embedding forward: gather rows of the embedding table by index
    return jnp.take(emb, x, axis=0)

if __name__ == "__main__":
    import jax
    _d = setup_inputs()
    print(jax.jit(kernel)(*tuple(_d.values())))

</pallas_src>

<mosaic_0001>
#map = affine_map<(d0, d1) -> (0)>
module attributes {stable_mosaic.version = 14 : i64} {
  func.func @_sc_embed(%arg0: i32, %arg1: i32, %arg2: memref<3276800xi32, #tpu.memory_space<hbm>>, %arg3: memref<128xf32, #tpu.memory_space<hbm>>, %arg4: memref<26214400xf32, #tpu.memory_space<hbm>>, %arg5: memref<4096xi32, #tpu.memory_space<vmem>>, %arg6: memref<4096xi32, #tpu.memory_space<vmem>>, %arg7: memref<32768xf32, #tpu.memory_space<vmem>>, %arg8: memref<32768xf32, #tpu.memory_space<vmem>>, %arg9: memref<128xf32, #tpu.memory_space<vmem>>, %arg10: memref<!tpu.dma_semaphore, #tpu.memory_space<semaphore_mem>>, %arg11: memref<!tpu.dma_semaphore, #tpu.memory_space<semaphore_mem>>, %arg12: memref<!tpu.dma_semaphore, #tpu.memory_space<semaphore_mem>>, %arg13: memref<!tpu.dma_semaphore, #tpu.memory_space<semaphore_mem>>) attributes {dimension_semantics = [#tpu.dimension_semantics<core_parallel>, #tpu.dimension_semantics<subcore_parallel>], iteration_bounds = array<i64: 2, 16>, scalar_prefetch = 0 : i64, scratch_operands = 9 : i64, tpu.core_type = #tpu.core_type<sc_vector_subcore>, window_params = [{transform_indices = #map}, {transform_indices = #map}, {transform_indices = #map}]} {
    %mul3A = arith.constant 2 : i32
    %mul3A_0 = arith.muli %arg1, %mul3A : i32
    %add3A = arith.addi %mul3A_0, %arg0 : i32
    "tpu.region"() ({
      %run_scoped3A = tpu.sem_alloc : memref<!tpu.dma_semaphore, #tpu.memory_space<semaphore_mem>>
      tpu.enqueue_dma source(%arg3 : memref<128xf32, #tpu.memory_space<hbm>>) target(%arg9 : memref<128xf32, #tpu.memory_space<vmem>>) target_semaphore(%run_scoped3A : memref<!tpu.dma_semaphore, #tpu.memory_space<semaphore_mem>>)
      tpu.wait_dma2 semaphore(%run_scoped3A : memref<!tpu.dma_semaphore, #tpu.memory_space<semaphore_mem>>) src(%arg3 : memref<128xf32, #tpu.memory_space<hbm>>) dst(%arg9 : memref<128xf32, #tpu.memory_space<vmem>>)
      tpu.yield
    }) : () -> ()
    %get3A = arith.constant 0 : index
    %get3A_1 = tpu.vector_load %arg9[%get3A] {strides = array<i32>} : memref<128xf32, #tpu.memory_space<vmem>>, vector<16xf32>,
    %get3A_2 = arith.constant 16 : index
    %get3A_3 = tpu.vector_load %arg9[%get3A_2] {strides = array<i32>} : memref<128xf32, #tpu.memory_space<vmem>>, vector<16xf32>,
    %get3A_4 = arith.constant 32 : index
    %get3A_5 = tpu.vector_load %arg9[%get3A_4] {strides = array<i32>} : memref<128xf32, #tpu.memory_space<vmem>>, vector<16xf32>,
    %get3A_6 = arith.constant 48 : index
    %get3A_7 = tpu.vector_load %arg9[%get3A_6] {strides = array<i32>} : memref<128xf32, #tpu.memory_space<vmem>>, vector<16xf32>,
    %get3A_8 = arith.constant 64 : index
    %get3A_9 = tpu.vector_load %arg9[%get3A_8] {strides = array<i32>} : memref<128xf32, #tpu.memory_space<vmem>>, vector<16xf32>,
    %get3A_10 = arith.constant 80 : index
    %get3A_11 = tpu.vector_load %arg9[%get3A_10] {strides = array<i32>} : memref<128xf32, #tpu.memory_space<vmem>>, vector<16xf32>,
    %get3A_12 = arith.constant 96 : index
    %get3A_13 = tpu.vector_load %arg9[%get3A_12] {strides = array<i32>} : memref<128xf32, #tpu.memory_space<vmem>>, vector<16xf32>,
    %get3A_14 = arith.constant 112 : index
    %get3A_15 = tpu.vector_load %arg9[%get3A_14] {strides = array<i32>} : memref<128xf32, #tpu.memory_space<vmem>>, vector<16xf32>,
    %mul3A_16 = arith.constant 4096 : i32
    %mul3A_17 = arith.muli %add3A, %mul3A_16 : i32
    %add3A_18 = arith.constant 0 : i32
    %add3A_19 = arith.addi %add3A_18, %mul3A_17 : i32
    %dma_start3A = tpu.memref_slice %arg2[%add3A_19] : memref<3276800xi32, #tpu.memory_space<hbm>> -> memref<4096xi32, #tpu.memory_space<hbm>>
    %dma_start3A_20 = tpu.memref_slice %arg2[%add3A_19] : memref<3276800xi32, #tpu.memory_space<hbm>> -> memref<4096xi32, #tpu.memory_space<hbm>>
    tpu.enqueue_dma source(%dma_start3A_20 : memref<4096xi32, #tpu.memory_space<hbm>>) target(%arg5 : memref<4096xi32, #tpu.memory_space<vmem>>) target_semaphore(%arg10 : memref<!tpu.dma_semaphore, #tpu.memory_space<semaphore_mem>>)
    %mul3A_21 = arith.constant 4096 : i32
    %mul3A_22 = arith.muli %add3A, %mul3A_21 : i32
    %add3A_23 = arith.constant 131072 : i32
    %add3A_24 = arith.addi %add3A_23, %mul3A_22 : i32
    %dma_start3A_25 = tpu.memref_slice %arg2[%add3A_24] : memref<3276800xi32, #tpu.memory_space<hbm>> -> memref<4096xi32, #tpu.memory_space<hbm>>
    %dma_start3A_26 = tpu.memref_slice %arg2[%add3A_24] : memref<3276800xi32, #tpu.memory_space<hbm>> -> memref<4096xi32, #tpu.memory_space<hbm>>
    tpu.enqueue_dma source(%dma_start3A_26 : memref<4096xi32, #tpu.memory_space<hbm>>) target(%arg6 : memref<4096xi32, #tpu.memory_space<vmem>>) target_semaphore(%arg11 : memref<!tpu.dma_semaphore, #tpu.memory_space<semaphore_mem>>)
    %scan3A = arith.constant 0 : i32
    %scan3A_27 = arith.constant 0 : i32
    %scan3A_28 = arith.constant 12 : i32
    %scan3A_29 = arith.addi %scan3A_27, %scan3A_28 : i32
    %scan3A_30 = arith.constant 1 : i32
    %scan3A_31 = scf.for %scan3A_360 = %scan3A_27 to %scan3A_29 step %scan3A_30 iter_args(%scan3A_361 = %scan3A) -> (i32)  : i32 {
      %mul3A_362 = arith.constant 2 : i32
      %mul3A_363 = arith.muli %scan3A_360, %mul3A_362 : i32
      %add3A_364 = arith.constant 0 : i32
      %add3A_365 = arith.addi %mul3A_363, %add3A_364 : i32
      %mul3A_366 = arith.constant 131072 : i32
      %mul3A_367 = arith.muli %add3A_365, %mul3A_366 : i32
      %mul3A_368 = arith.constant 4096 : i32
      %mul3A_369 = arith.muli %add3A, %mul3A_368 : i32
      %add3A_370 = arith.addi %mul3A_367, %mul3A_369 : i32
      %dma_wait3A_371 = tpu.memref_slice %arg2[%add3A_370] : memref<3276800xi32, #tpu.memory_space<hbm>> -> memref<4096xi32, #tpu.memory_space<hbm>>
      %dma_wait3A_372 = tpu.memref_slice %arg2[%add3A_370] : memref<3276800xi32, #tpu.memory_space<hbm>> -> memref<4096xi32, #tpu.memory_space<hbm>>
      tpu.wait_dma2 semaphore(%arg10 : memref<!tpu.dma_semaphore, #tpu.memory_space<semaphore_mem>>) src(%dma_wait3A_372 : memref<4096xi32, #tpu.memory_space<hbm>>) dst(%arg5 : memref<4096xi32, #tpu.memory_space<vmem>>)
      %ge3A = arith.constant 2 : i32
      %ge3A_373 = arith.cmpi sge, %add3A_365, %ge3A : i32
      %convert_element_type3A = arith.extui %ge3A_373 : i1 to i32
      %cond3A = arith.constant 0 : i32
      %cond3A_374 = arith.cmpi ne, %convert_element_type3A, %cond3A : i32
      scf.if %cond3A_374 {
        %sub3A = arith.constant 2 : i32
        %sub3A_619 = arith.subi %add3A_365, %sub3A : i32
        %mul3A_620 = arith.constant 1048576 : i32
        %mul3A_621 = arith.muli %sub3A_619, %mul3A_620 : i32
        %add3A_622 = arith.constant 0 : i32
        %add3A_623 = arith.addi %mul3A_621, %add3A_622 : i32
        %mul3A_624 = arith.constant 4096 : i32
        %mul3A_625 = arith.muli %add3A, %mul3A_624 : i32
        %add3A_626 = arith.addi %add3A_623, %mul3A_625 : i32
        %mul3A_627 = arith.constant 1048576 : i32
        %mul3A_628 = arith.muli %sub3A_619, %mul3A_627 : i32
        %add3A_629 = arith.constant 131072 : i32
        %add3A_630 = arith.addi %mul3A_628, %add3A_629 : i32
        %mul3A_631 = arith.constant 4096 : i32
        %mul3A_632 = arith.muli %add3A, %mul3A_631 : i32
        %add3A_633 = arith.addi %add3A_630, %mul3A_632 : i32
        %mul3A_634 = arith.constant 1048576 : i32
        %mul3A_635 = arith.muli %sub3A_619, %mul3A_634 : i32
        %add3A_636 = arith.constant 262144 : i32
        %add3A_637 = arith.addi %mul3A_635, %add3A_636 : i32
        %mul3A_638 = arith.constant 4096 : i32
        %mul3A_639 = arith.muli %add3A, %mul3A_638 : i32
        %add3A_640 = arith.addi %add3A_637, %mul3A_639 : i32
        %mul3A_641 = arith.constant 1048576 : i32
        %mul3A_642 = arith.muli %sub3A_619, %mul3A_641 : i32
        %add3A_643 = arith.constant 393216 : i32
        %add3A_644 = arith.addi %mul3A_642, %add3A_643 : i32
        %mul3A_645 = arith.constant 4096 : i32
        %mul3A_646 = arith.muli %add3A, %mul3A_645 : i32
        %add3A_647 = arith.addi %add3A_644, %mul3A_646 : i32
        %mul3A_648 = arith.constant 1048576 : i32
        %mul3A_649 = arith.muli %sub3A_619, %mul3A_648 : i32
        %add3A_650 = arith.constant 524288 : i32
        %add3A_651 = arith.addi %mul3A_649, %add3A_650 : i32
        %mul3A_652 = arith.constant 4096 : i32
        %mul3A_653 = arith.muli %add3A, %mul3A_652 : i32
        %add3A_654 = arith.addi %add3A_651, %mul3A_653 : i32
        %mul3A_655 = arith.constant 1048576 : i32
        %mul3A_656 = arith.muli %sub3A_619, %mul3A_655 : i32
        %add3A_657 = arith.constant 655360 : i32
        %add3A_658 = arith.addi %mul3A_656, %add3A_657 : i32
        %mul3A_659 = arith.constant 4096 : i32
        %mul3A_660 = arith.muli %add3A, %mul3A_659 : i32
        %add3A_661 = arith.addi %add3A_658, %mul3A_660 : i32
        %mul3A_662 = arith.constant 1048576 : i32
        %mul3A_663 = arith.muli %sub3A_619, %mul3A_662 : i32
        %add3A_664 = arith.constant 786432 : i32
        %add3A_665 = arith.addi %mul3A_663, %add3A_664 : i32
        %mul3A_666 = arith.constant 4096 : i32
        %mul3A_667 = arith.muli %add3A, %mul3A_666 : i32
        %add3A_668 = arith.addi %add3A_665, %mul3A_667 : i32
        %mul3A_669 = arith.constant 1048576 : i32
        %mul3A_670 = arith.muli %sub3A_619, %mul3A_669 : i32
        %add3A_671 = arith.constant 917504 : i32
        %add3A_672 = arith.addi %mul3A_670, %add3A_671 : i32
        %mul3A_673 = arith.constant 4096 : i32
        %mul3A_674 = arith.muli %add3A, %mul3A_673 : i32
        %add3A_675 = arith.addi %add3A_672, %mul3A_674 : i32
        %dma_wait3A_676 = arith.constant 0 : i32
        %dma_wait3A_677 = tpu.memref_slice %arg7[%dma_wait3A_676] : memref<32768xf32, #tpu.memory_space<vmem>> -> memref<4096xf32, #tpu.memory_space<vmem>>
        %dma_wait3A_678 = tpu.memref_slice %arg4[%add3A_626] : memref<26214400xf32, #tpu.memory_space<hbm>> -> memref<4096xf32, #tpu.memory_space<hbm>>
        %dma_wait3A_679 = tpu.memref_slice %arg4[%add3A_626] : memref<26214400xf32, #tpu.memory_space<hbm>> -> memref<4096xf32, #tpu.memory_space<hbm>>
        %dma_wait3A_680 = arith.constant 0 : i32
        %dma_wait3A_681 = tpu.memref_slice %arg7[%dma_wait3A_680] : memref<32768xf32, #tpu.memory_space<vmem>> -> memref<4096xf32, #tpu.memory_space<vmem>>
        tpu.wait_dma2 semaphore(%arg12 : memref<!tpu.dma_semaphore, #tpu.memory_space<semaphore_mem>>) src(%dma_wait3A_681 : memref<4096xf32, #tpu.memory_space<vmem>>) dst(%dma_wait3A_679 : memref<4096xf32, #tpu.memory_space<hbm>>)
        %dma_wait3A_682 = arith.constant 4096 : i32
        %dma_wait3A_683 = tpu.memref_slice %arg7[%dma_wait3A_682] : memref<32768xf32, #tpu.memory_space<vmem>> -> memref<4096xf32, #tpu.memory_space<vmem>>
        %dma_wait3A_684 = tpu.memref_slice %arg4[%add3A_633] : memref<26214400xf32, #tpu.memory_space<hbm>> -> memref<4096xf32, #tpu.memory_space<hbm>>
        %dma_wait3A_685 = tpu.memref_slice %arg4[%add3A_633] : memref<26214400xf32, #tpu.memory_space<hbm>> -> memref<4096xf32, #tpu.memory_space<hbm>>
        %dma_wait3A_686 = arith.constant 4096 : i32
        %dma_wait3A_687 = tpu.memref_slice %arg7[%dma_wait3A_686] : memref<32768xf32, #tpu.memory_space<vmem>> -> memref<4096xf32, #tpu.memory_space<vmem>>
        tpu.wait_dma2 semaphore(%arg12 : memref<!tpu.dma_semaphore, #tpu.memory_space<semaphore_mem>>) src(%dma_wait3A_687 : memref<4096xf32, #tpu.memory_space<vmem>>) dst(%dma_wait3A_685 : memref<4096xf32, #tpu.memory_space<hbm>>)
        %dma_wait3A_688 = arith.constant 8192 : i32
        %dma_wait3A_689 = tpu.memref_slice %arg7[%dma_wait3A_688] : memref<32768xf32, #tpu.memory_space<vmem>> -> memref<4096xf32, #tpu.memory_space<vmem>>
        %dma_wait3A_690 = tpu.memref_slice %arg4[%add3A_640] : memref<26214400xf32, #tpu.memory_space<hbm>> -> memref<4096xf32, #tpu.memory_space<hbm>>
        %dma_wait3A_691 = tpu.memref_slice %arg4[%add3A_640] : memref<26214400xf32, #tpu.memory_space<hbm>> -> memref<4096xf32, #tpu.memory_space<hbm>>
        %dma_wait3A_692 = arith.constant 8192 : i32
        %dma_wait3A_693 = tpu.memref_slice %arg7[%dma_wait3A_692] : memref<32768xf32, #tpu.memory_space<vmem>> -> memref<4096xf32, #tpu.memory_space<vmem>>
        tpu.wait_dma2 semaphore(%arg12 : memref<!tpu.dma_semaphore, #tpu.memory_space<semaphore_mem>>) src(%dma_wait3A_693 : memref<4096xf32, #tpu.memory_space<vmem>>) dst(%dma_wait3A_691 : memref<4096xf32, #tpu.memory_space<hbm>>)
        %dma_wait3A_694 = arith.constant 12288 : i32
        %dma_wait3A_695 = tpu.memref_slice %arg7[%dma_wait3A_694] : memref<32768xf32, #tpu.memory_space<vmem>> -> memref<4096xf32, #tpu.memory_space<vmem>>
        %dma_wait3A_696 = tpu.memref_slice %arg4[%add3A_647] : memref<26214400xf32, #tpu.memory_space<hbm>> -> memref<4096xf32, #tpu.memory_space<hbm>>
        %dma_wait3A_697 = tpu.memref_slice %arg4[%add3A_647] : memref<26214400xf32, #tpu.memory_space<hbm>> -> memref<4096xf32, #tpu.memory_space<hbm>>
        %dma_wait3A_698 = arith.constant 12288 : i32
        %dma_wait3A_699 = tpu.memref_slice %arg7[%dma_wait3A_698] : memref<32768xf32, #tpu.memory_space<vmem>> -> memref<4096xf32, #tpu.memory_space<vmem>>
        tpu.wait_dma2 semaphore(%arg12 : memref<!tpu.dma_semaphore, #tpu.memory_space<semaphore_mem>>) src(%dma_wait3A_699 : memref<4096xf32, #tpu.memory_space<vmem>>) dst(%dma_wait3A_697 : memref<4096xf32, #tpu.memory_space<hbm>>)
        %dma_wait3A_700 = arith.constant 16384 : i32
        %dma_wait3A_701 = tpu.memref_slice %arg7[%dma_wait3A_700] : memref<32768xf32, #tpu.memory_space<vmem>> -> memref<4096xf32, #tpu.memory_space<vmem>>
        %dma_wait3A_702 = tpu.memref_slice %arg4[%add3A_654] : memref<26214400xf32, #tpu.memory_space<hbm>> -> memref<4096xf32, #tpu.memory_space<hbm>>
        %dma_wait3A_703 = tpu.memref_slice %arg4[%add3A_654] : memref<26214400xf32, #tpu.memory_space<hbm>> -> memref<4096xf32, #tpu.memory_space<hbm>>
        %dma_wait3A_704 = arith.constant 16384 : i32
        %dma_wait3A_705 = tpu.memref_slice %arg7[%dma_wait3A_704] : memref<32768xf32, #tpu.memory_space<vmem>> -> memref<4096xf32, #tpu.memory_space<vmem>>
        tpu.wait_dma2 semaphore(%arg12 : memref<!tpu.dma_semaphore, #tpu.memory_space<semaphore_mem>>) src(%dma_wait3A_705 : memref<4096xf32, #tpu.memory_space<vmem>>) dst(%dma_wait3A_703 : memref<4096xf32, #tpu.memory_space<hbm>>)
        %dma_wait3A_706 = arith.constant 20480 : i32
        %dma_wait3A_707 = tpu.memref_slice %arg7[%dma_wait3A_706] : memref<32768xf32, #tpu.memory_space<vmem>> -> memref<4096xf32, #tpu.memory_space<vmem>>
        %dma_wait3A_708 = tpu.memref_slice %arg4[%add3A_661] : memref<26214400xf32, #tpu.memory_space<hbm>> -> memref<4096xf32, #tpu.memory_space<hbm>>
        %dma_wait3A_709 = tpu.memref_slice %arg4[%add3A_661] : memref<26214400xf32, #tpu.memory_space<hbm>> -> memref<4096xf32, #tpu.memory_space<hbm>>
        %dma_wait3A_710 = arith.constant 20480 : i32
        %dma_wait3A_711 = tpu.memref_slice %arg7[%dma_wait3A_710] : memref<32768xf32, #tpu.memory_space<vmem>> -> memref<4096xf32, #tpu.memory_space<vmem>>
        tpu.wait_dma2 semaphore(%arg12 : memref<!tpu.dma_semaphore, #tpu.memory_space<semaphore_mem>>) src(%dma_wait3A_711 : memref<4096xf32, #tpu.memory_space<vmem>>) dst(%dma_wait3A_709 : memref<4096xf32, #tpu.memory_space<hbm>>)
        %dma_wait3A_712 = arith.constant 24576 : i32
        %dma_wait3A_713 = tpu.memref_slice %arg7[%dma_wait3A_712] : memref<32768xf32, #tpu.memory_space<vmem>> -> memref<4096xf32, #tpu.memory_space<vmem>>
        %dma_wait3A_714 = tpu.memref_slice %arg4[%add3A_668] : memref<26214400xf32, #tpu.memory_space<hbm>> -> memref<4096xf32, #tpu.memory_space<hbm>>
        %dma_wait3A_715 = tpu.memref_slice %arg4[%add3A_668] : memref<26214400xf32, #tpu.memory_space<hbm>> -> memref<4096xf32, #tpu.memory_space<hbm>>
        %dma_wait3A_716 = arith.constant 24576 : i32
        %dma_wait3A_717 = tpu.memref_slice %arg7[%dma_wait3A_716] : memref<32768xf32, #tpu.memory_space<vmem>> -> memref<4096xf32, #tpu.memory_space<vmem>>
        tpu.wait_dma2 semaphore(%arg12 : memref<!tpu.dma_semaphore, #tpu.memory_space<semaphore_mem>>) src(%dma_wait3A_717 : memref<4096xf32, #tpu.memory_space<vmem>>) dst(%dma_wait3A_715 : memref<4096xf32, #tpu.memory_space<hbm>>)
        %dma_wait3A_718 = arith.constant 28672 : i32
        %dma_wait3A_719 = tpu.memref_slice %arg7[%dma_wait3A_718] : memref<32768xf32, #tpu.memory_space<vmem>> -> memref<4096xf32, #tpu.memory_space<vmem>>
        %dma_wait3A_720 = tpu.memref_slice %arg4[%add3A_675] : memref<26214400xf32, #tpu.memory_space<hbm>> -> memref<4096xf32, #tpu.memory_space<hbm>>
        %dma_wait3A_721 = tpu.memref_slice %arg4[%add3A_675] : memref<26214400xf32, #tpu.memory_space<hbm>> -> memref<4096xf32, #tpu.memory_space<hbm>>
        %dma_wait3A_722 = arith.constant 28672 : i32
        %dma_wait3A_723 = tpu.memref_slice %arg7[%dma_wait3A_722] : memref<32768xf32, #tpu.memory_space<vmem>> -> memref<4096xf32, #tpu.memory_space<vmem>>
        tpu.wait_dma2 semaphore(%arg12 : memref<!tpu.dma_semaphore, #tpu.memory_space<semaphore_mem>>) src(%dma_wait3A_723 : memref<4096xf32, #tpu.memory_space<vmem>>) dst(%dma_wait3A_721 : memref<4096xf32, #tpu.memory_space<hbm>>)
      } else {
      }
      %parallel_loop3A_375 = arith.constant 0 : i32
      %parallel_loop3A_376 = arith.constant 256 : i32
      %parallel_loop3A_377 = arith.constant 1 : i32
      scf.for %parallel_loop3A_619 = %parallel_loop3A_375 to %parallel_loop3A_376 step %parallel_loop3A_377  : i32 {
        %parallel_loop3A_620 = arith.constant 16 : i32
        %parallel_loop3A_621 = arith.muli %parallel_loop3A_619, %parallel_loop3A_620 : i32
        %parallel_loop3A_622 = arith.index_cast %parallel_loop3A_621 : i32 to index
        %parallel_loop3A_623 = tpu.vector_load %arg5[%parallel_loop3A_622] {strides = array<i32>} : memref<4096xi32, #tpu.memory_space<vmem>>, vector<16xi32>,
        %parallel_loop3A_624 = arith.constant 3 : i32
        %parallel_loop3A_625 = arith.shrsi %parallel_loop3A_619, %parallel_loop3A_624 : i32
        %parallel_loop3A_626 = arith.constant 7 : i32
        %parallel_loop3A_627 = arith.andi %parallel_loop3A_625, %parallel_loop3A_626 : i32
        %parallel_loop3A_628 = arith.constant 4096 : i32
        %parallel_loop3A_629 = arith.muli %parallel_loop3A_627, %parallel_loop3A_628 : i32
        %parallel_loop3A_630 = arith.constant 6 : i32
        %parallel_loop3A_631 = arith.shrsi %parallel_loop3A_619, %parallel_loop3A_630 : i32
        %parallel_loop3A_632 = arith.constant 1024 : i32
        %parallel_loop3A_633 = arith.muli %parallel_loop3A_631, %parallel_loop3A_632 : i32
        %parallel_loop3A_634 = arith.addi %parallel_loop3A_629, %parallel_loop3A_633 : i32
        %parallel_loop3A_635 = arith.constant 7 : i32
        %parallel_loop3A_636 = arith.andi %parallel_loop3A_619, %parallel_loop3A_635 : i32
        %parallel_loop3A_637 = arith.constant 16 : i32
        %parallel_loop3A_638 = arith.muli %parallel_loop3A_636, %parallel_loop3A_637 : i32
        %parallel_loop3A_639 = arith.addi %parallel_loop3A_634, %parallel_loop3A_638 : i32
        %parallel_loop3A_640 = arith.constant 0 : i32
        %parallel_loop3A_641 = vector.broadcast %parallel_loop3A_640 : i32 to vector<16xi32>
        %parallel_loop3A_642 = arith.cmpi slt, %parallel_loop3A_623, %parallel_loop3A_641 : vector<16xi32>
        %parallel_loop3A_643 = arith.constant 16 : i32
        %parallel_loop3A_644 = vector.broadcast %parallel_loop3A_643 : i32 to vector<16xi32>
        %parallel_loop3A_645 = arith.addi %parallel_loop3A_623, %parallel_loop3A_644 : vector<16xi32>
        %parallel_loop3A_646 = arith.select %parallel_loop3A_642, %parallel_loop3A_645, %parallel_loop3A_623 : vector<16xi1>, vector<16xi32>
        %parallel_loop3A_647 = vector.shape_cast %parallel_loop3A_646 : vector<16xi32> to vector<16x1xi32>
        %parallel_loop3A_648 = vector.shape_cast %parallel_loop3A_647 : vector<16x1xi32> to vector<16xi32>
        %parallel_loop3A_649 = tpu.dynamic_gather %get3A_1[%parallel_loop3A_648] in [0] : vector<16xf32>, vector<16xi32> -> vector<16xf32>
        %parallel_loop3A_650 = arith.constant 0 : i32
        %parallel_loop3A_651 = arith.addi %parallel_loop3A_639, %parallel_loop3A_650 : i32
        %parallel_loop3A_652 = arith.index_cast %parallel_loop3A_651 : i32 to index
        %parallel_loop3A_653 = tpu.vector_load %arg7[%parallel_loop3A_652] {strides = array<i32>} : memref<32768xf32, #tpu.memory_space<vmem>>, vector<16xf32>,
        tpu.vector_store %arg7[%parallel_loop3A_652], %parallel_loop3A_649 {strides = array<i32>} : memref<32768xf32, #tpu.memory_space<vmem>>, vector<16xf32>,
        %parallel_loop3A_654 = arith.constant 0 : i32
        %parallel_loop3A_655 = vector.broadcast %parallel_loop3A_654 : i32 to vector<16xi32>
        %parallel_loop3A_656 = arith.cmpi slt, %parallel_loop3A_623, %parallel_loop3A_655 : vector<16xi32>
        %parallel_loop3A_657 = arith.constant 16 : i32
        %parallel_loop3A_658 = vector.broadcast %parallel_loop3A_657 : i32 to vector<16xi32>
        %parallel_loop3A_659 = arith.addi %parallel_loop3A_623, %parallel_loop3A_658 : vector<16xi32>
        %parallel_loop3A_660 = arith.select %parallel_loop3A_656, %parallel_loop3A_659, %parallel_loop3A_623 : vector<16xi1>, vector<16xi32>
        %parallel_loop3A_661 = vector.shape_cast %parallel_loop3A_660 : vector<16xi32> to vector<16x1xi32>
        %parallel_loop3A_662 = vector.shape_cast %parallel_loop3A_661 : vector<16x1xi32> to vector<16xi32>
        %parallel_loop3A_663 = tpu.dynamic_gather %get3A_3[%parallel_loop3A_662] in [0] : vector<16xf32>, vector<16xi32> -> vector<16xf32>
        %parallel_loop3A_664 = arith.constant 128 : i32
        %parallel_loop3A_665 = arith.addi %parallel_loop3A_639, %parallel_loop3A_664 : i32
        %parallel_loop3A_666 = arith.index_cast %parallel_loop3A_665 : i32 to index
        %parallel_loop3A_667 = tpu.vector_load %arg7[%parallel_loop3A_666] {strides = array<i32>} : memref<32768xf32, #tpu.memory_space<vmem>>, vector<16xf32>,
        tpu.vector_store %arg7[%parallel_loop3A_666], %parallel_loop3A_663 {strides = array<i32>} : memref<32768xf32, #tpu.memory_space<vmem>>, vector<16xf32>,
        %parallel_loop3A_668 = arith.constant 0 : i32
        %parallel_loop3A_669 = vector.broadcast %parallel_loop3A_668 : i32 to vector<16xi32>
        %parallel_loop3A_670 = arith.cmpi slt, %parallel_loop3A_623, %parallel_loop3A_669 : vector<16xi32>
        %parallel_loop3A_671 = arith.constant 16 : i32
        %parallel_loop3A_672 = vector.broadcast %parallel_loop3A_671 : i32 to vector<16xi32>
        %parallel_loop3A_673 = arith.addi %parallel_loop3A_623, %parallel_loop3A_672 : vector<16xi32>
        %parallel_loop3A_674 = arith.select %parallel_loop3A_670, %parallel_loop3A_673, %parallel_loop3A_623 : vector<16xi1>, vector<16xi32>
        %parallel_loop3A_675 = vector.shape_cast %parallel_loop3A_674 : vector<16xi32> to vector<16x1xi32>
        %parallel_loop3A_676 = vector.shape_cast %parallel_loop3A_675 : vector<16x1xi32> to vector<16xi32>
        %parallel_loop3A_677 = tpu.dynamic_gather %get3A_5[%parallel_loop3A_676] in [0] : vector<16xf32>, vector<16xi32> -> vector<16xf32>
        %parallel_loop3A_678 = arith.constant 256 : i32
        %parallel_loop3A_679 = arith.addi %parallel_loop3A_639, %parallel_loop3A_678 : i32
        %parallel_loop3A_680 = arith.index_cast %parallel_loop3A_679 : i32 to index
        %parallel_loop3A_681 = tpu.vector_load %arg7[%parallel_loop3A_680] {strides = array<i32>} : memref<32768xf32, #tpu.memory_space<vmem>>, vector<16xf32>,
        tpu.vector_store %arg7[%parallel_loop3A_680], %parallel_loop3A_677 {strides = array<i32>} : memref<32768xf32, #tpu.memory_space<vmem>>, vector<16xf32>,
        %parallel_loop3A_682 = arith.constant 0 : i32
        %parallel_loop3A_683 = vector.broadcast %parallel_loop3A_682 : i32 to vector<16xi32>
        %parallel_loop3A_684 = arith.cmpi slt, %parallel_loop3A_623, %parallel_loop3A_683 : vector<16xi32>
        %parallel_loop3A_685 = arith.constant 16 : i32
        %parallel_loop3A_686 = vector.broadcast %parallel_loop3A_685 : i32 to vector<16xi32>
        %parallel_loop3A_687 = arith.addi %parallel_loop3A_623, %parallel_loop3A_686 : vector<16xi32>
        %parallel_loop3A_688 = arith.select %parallel_loop3A_684, %parallel_loop3A_687, %parallel_loop3A_623 : vector<16xi1>, vector<16xi32>
        %parallel_loop3A_689 = vector.shape_cast %parallel_loop3A_688 : vector<16xi32> to vector<16x1xi32>
        %parallel_loop3A_690 = vector.shape_cast %parallel_loop3A_689 : vector<16x1xi32> to vector<16xi32>
        %parallel_loop3A_691 = tpu.dynamic_gather %get3A_7[%parallel_loop3A_690] in [0] : vector<16xf32>, vector<16xi32> -> vector<16xf32>
        %parallel_loop3A_692 = arith.constant 384 : i32
        %parallel_loop3A_693 = arith.addi %parallel_loop3A_639, %parallel_loop3A_692 : i32
        %parallel_loop3A_694 = arith.index_cast %parallel_loop3A_693 : i32 to index
        %parallel_loop3A_695 = tpu.vector_load %arg7[%parallel_loop3A_694] {strides = array<i32>} : memref<32768xf32, #tpu.memory_space<vmem>>, vector<16xf32>,
        tpu.vector_store %arg7[%parallel_loop3A_694], %parallel_loop3A_691 {strides = array<i32>} : memref<32768xf32, #tpu.memory_space<vmem>>, vector<16xf32>,
        %parallel_loop3A_696 = arith.constant 0 : i32
        %parallel_loop3A_697 = vector.broadcast %parallel_loop3A_696 : i32 to vector<16xi32>
        %parallel_loop3A_698 = arith.cmpi slt, %parallel_loop3A_623, %parallel_loop3A_697 : vector<16xi32>
        %parallel_loop3A_699 = arith.constant 16 : i32
        %parallel_loop3A_700 = vector.broadcast %parallel_loop3A_699 : i32 to vector<16xi32>
        %parallel_loop3A_701 = arith.addi %parallel_loop3A_623, %parallel_loop3A_700 : vector<16xi32>
        %parallel_loop3A_702 = arith.select %parallel_loop3A_698, %parallel_loop3A_701, %parallel_loop3A_623 : vector<16xi1>, vector<16xi32>
        %parallel_loop3A_703 = vector.shape_cast %parallel_loop3A_702 : vector<16xi32> to vector<16x1xi32>
        %parallel_loop3A_704 = vector.shape_cast %parallel_loop3A_703 : vector<16x1xi32> to vector<16xi32>
        %parallel_loop3A_705 = tpu.dynamic_gather %get3A_9[%parallel_loop3A_704] in [0] : vector<16xf32>, vector<16xi32> -> vector<16xf32>
        %parallel_loop3A_706 = arith.constant 512 : i32
        %parallel_loop3A_707 = arith.addi %parallel_loop3A_639, %parallel_loop3A_706 : i32
        %parallel_loop3A_708 = arith.index_cast %parallel_loop3A_707 : i32 to index
        %parallel_loop3A_709 = tpu.vector_load %arg7[%parallel_loop3A_708] {strides = array<i32>} : memref<32768xf32, #tpu.memory_space<vmem>>, vector<16xf32>,
        tpu.vector_store %arg7[%parallel_loop3A_708], %parallel_loop3A_705 {strides = array<i32>} : memref<32768xf32, #tpu.memory_space<vmem>>, vector<16xf32>,
        %parallel_loop3A_710 = arith.constant 0 : i32
        %parallel_loop3A_711 = vector.broadcast %parallel_loop3A_710 : i32 to vector<16xi32>
        %parallel_loop3A_712 = arith.cmpi slt, %parallel_loop3A_623, %parallel_loop3A_711 : vector<16xi32>
        %parallel_loop3A_713 = arith.constant 16 : i32
        %parallel_loop3A_714 = vector.broadcast %parallel_loop3A_713 : i32 to vector<16xi32>
        %parallel_loop3A_715 = arith.addi %parallel_loop3A_623, %parallel_loop3A_714 : vector<16xi32>
        %parallel_loop3A_716 = arith.select %parallel_loop3A_712, %parallel_loop3A_715, %parallel_loop3A_623 : vector<16xi1>, vector<16xi32>
        %parallel_loop3A_717 = vector.shape_cast %parallel_loop3A_716 : vector<16xi32> to vector<16x1xi32>
        %parallel_loop3A_718 = vector.shape_cast %parallel_loop3A_717 : vector<16x1xi32> to vector<16xi32>
        %parallel_loop3A_719 = tpu.dynamic_gather %get3A_11[%parallel_loop3A_718] in [0] : vector<16xf32>, vector<16xi32> -> vector<16xf32>
        %parallel_loop3A_720 = arith.constant 640 : i32
        %parallel_loop3A_721 = arith.addi %parallel_loop3A_639, %parallel_loop3A_720 : i32
        %parallel_loop3A_722 = arith.index_cast %parallel_loop3A_721 : i32 to index
        %parallel_loop3A_723 = tpu.vector_load %arg7[%parallel_loop3A_722] {strides = array<i32>} : memref<32768xf32, #tpu.memory_space<vmem>>, vector<16xf32>,
        tpu.vector_store %arg7[%parallel_loop3A_722], %parallel_loop3A_719 {strides = array<i32>} : memref<32768xf32, #tpu.memory_space<vmem>>, vector<16xf32>,
        %parallel_loop3A_724 = arith.constant 0 : i32
        %parallel_loop3A_725 = vector.broadcast %parallel_loop3A_724 : i32 to vector<16xi32>
        %parallel_loop3A_726 = arith.cmpi slt, %parallel_loop3A_623, %parallel_loop3A_725 : vector<16xi32>
        %parallel_loop3A_727 = arith.constant 16 : i32
        %parallel_loop3A_728 = vector.broadcast %parallel_loop3A_727 : i32 to vector<16xi32>
        %parallel_loop3A_729 = arith.addi %parallel_loop3A_623, %parallel_loop3A_728 : vector<16xi32>
        %parallel_loop3A_730 = arith.select %parallel_loop3A_726, %parallel_loop3A_729, %parallel_loop3A_623 : vector<16xi1>, vector<16xi32>
        %parallel_loop3A_731 = vector.shape_cast %parallel_loop3A_730 : vector<16xi32> to vector<16x1xi32>
        %parallel_loop3A_732 = vector.shape_cast %parallel_loop3A_731 : vector<16x1xi32> to vector<16xi32>
        %parallel_loop3A_733 = tpu.dynamic_gather %get3A_13[%parallel_loop3A_732] in [0] : vector<16xf32>, vector<16xi32> -> vector<16xf32>
        %parallel_loop3A_734 = arith.constant 768 : i32
        %parallel_loop3A_735 = arith.addi %parallel_loop3A_639, %parallel_loop3A_734 : i32
        %parallel_loop3A_736 = arith.index_cast %parallel_loop3A_735 : i32 to index
        %parallel_loop3A_737 = tpu.vector_load %arg7[%parallel_loop3A_736] {strides = array<i32>} : memref<32768xf32, #tpu.memory_space<vmem>>, vector<16xf32>,
        tpu.vector_store %arg7[%parallel_loop3A_736], %parallel_loop3A_733 {strides = array<i32>} : memref<32768xf32, #tpu.memory_space<vmem>>, vector<16xf32>,
        %parallel_loop3A_738 = arith.constant 0 : i32
        %parallel_loop3A_739 = vector.broadcast %parallel_loop3A_738 : i32 to vector<16xi32>
        %parallel_loop3A_740 = arith.cmpi slt, %parallel_loop3A_623, %parallel_loop3A_739 : vector<16xi32>
        %parallel_loop3A_741 = arith.constant 16 : i32
        %parallel_loop3A_742 = vector.broadcast %parallel_loop3A_741 : i32 to vector<16xi32>
        %parallel_loop3A_743 = arith.addi %parallel_loop3A_623, %parallel_loop3A_742 : vector<16xi32>
        %parallel_loop3A_744 = arith.select %parallel_loop3A_740, %parallel_loop3A_743, %parallel_loop3A_623 : vector<16xi1>, vector<16xi32>
        %parallel_loop3A_745 = vector.shape_cast %parallel_loop3A_744 : vector<16xi32> to vector<16x1xi32>
        %parallel_loop3A_746 = vector.shape_cast %parallel_loop3A_745 : vector<16x1xi32> to vector<16xi32>
        %parallel_loop3A_747 = tpu.dynamic_gather %get3A_15[%parallel_loop3A_746] in [0] : vector<16xf32>, vector<16xi32> -> vector<16xf32>
        %parallel_loop3A_748 = arith.constant 896 : i32
        %parallel_loop3A_749 = arith.addi %parallel_loop3A_639, %parallel_loop3A_748 : i32
        %parallel_loop3A_750 = arith.index_cast %parallel_loop3A_749 : i32 to index
        %parallel_loop3A_751 = tpu.vector_load %arg7[%parallel_loop3A_750] {strides = array<i32>} : memref<32768xf32, #tpu.memory_space<vmem>>, vector<16xf32>,
        tpu.vector_store %arg7[%parallel_loop3A_750], %parallel_loop3A_747 {strides = array<i32>} : memref<32768xf32, #tpu.memory_space<vmem>>, vector<16xf32>,
      } {sc.loop_unroll_factor = 8 : i64, sc.parallel_access}
      %mul3A_378 = arith.constant 1048576 : i32
      %mul3A_379 = arith.muli %add3A_365, %mul3A_378 : i32
      %add3A_380 = arith.constant 0 : i32
      %add3A_381 = arith.addi %mul3A_379, %add3A_380 : i32
      %mul3A_382 = arith.constant 4096 : i32
      %mul3A_383 = arith.muli %add3A, %mul3A_382 : i32
      %add3A_384 = arith.addi %add3A_381, %mul3A_383 : i32
      %mul3A_385 = arith.constant 1048576 : i32
      %mul3A_386 = arith.muli %add3A_365, %mul3A_385 : i32
      %add3A_387 = arith.constant 131072 : i32
      %add3A_388 = arith.addi %mul3A_386, %add3A_387 : i32
      %mul3A_389 = arith.constant 4096 : i32
      %mul3A_390 = arith.muli %add3A, %mul3A_389 : i32
      %add3A_391 = arith.addi %add3A_388, %mul3A_390 : i32
      %mul3A_392 = arith.constant 1048576 : i32
      %mul3A_393 = arith.muli %add3A_365, %mul3A_392 : i32
      %add3A_394 = arith.constant 262144 : i32
      %add3A_395 = arith.addi %mul3A_393, %add3A_394 : i32
      %mul3A_396 = arith.constant 4096 : i32
      %mul3A_397 = arith.muli %add3A, %mul3A_396 : i32
      %add3A_398 = arith.addi %add3A_395, %mul3A_397 : i32
      %mul3A_399 = arith.constant 1048576 : i32
      %mul3A_400 = arith.muli %add3A_365, %mul3A_399 : i32
      %add3A_401 = arith.constant 393216 : i32
      %add3A_402 = arith.addi %mul3A_400, %add3A_401 : i32
      %mul3A_403 = arith.constant 4096 : i32
      %mul3A_404 = arith.muli %add3A, %mul3A_403 : i32
      %add3A_405 = arith.addi %add3A_402, %mul3A_404 : i32
      %mul3A_406 = arith.constant 1048576 : i32
      %mul3A_407 = arith.muli %add3A_365, %mul3A_406 : i32
      %add3A_408 = arith.constant 524288 : i32
      %add3A_409 = arith.addi %mul3A_407, %add3A_408 : i32
      %mul3A_410 = arith.constant 4096 : i32
      %mul3A_411 = arith.muli %add3A, %mul3A_410 : i32
      %add3A_412 = arith.addi %add3A_409, %mul3A_411 : i32
      %mul3A_413 = arith.constant 1048576 : i32
      %mul3A_414 = arith.muli %add3A_365, %mul3A_413 : i32
      %add3A_415 = arith.constant 655360 : i32
      %add3A_416 = arith.addi %mul3A_414, %add3A_415 : i32
      %mul3A_417 = arith.constant 4096 : i32
      %mul3A_418 = arith.muli %add3A, %mul3A_417 : i32
      %add3A_419 = arith.addi %add3A_416, %mul3A_418 : i32
      %mul3A_420 = arith.constant 1048576 : i32
      %mul3A_421 = arith.muli %add3A_365, %mul3A_420 : i32
      %add3A_422 = arith.constant 786432 : i32
      %add3A_423 = arith.addi %mul3A_421, %add3A_422 : i32
      %mul3A_424 = arith.constant 4096 : i32
      %mul3A_425 = arith.muli %add3A, %mul3A_424 : i32
      %add3A_426 = arith.addi %add3A_423, %mul3A_425 : i32
      %mul3A_427 = arith.constant 1048576 : i32
      %mul3A_428 = arith.muli %add3A_365, %mul3A_427 : i32
      %add3A_429 = arith.constant 917504 : i32
      %add3A_430 = arith.addi %mul3A_428, %add3A_429 : i32
      %mul3A_431 = arith.constant 4096 : i32
      %mul3A_432 = arith.muli %add3A, %mul3A_431 : i32
      %add3A_433 = arith.addi %add3A_430, %mul3A_432 : i32
      %dma_start3A_434 = arith.constant 0 : i32
      %dma_start3A_435 = tpu.memref_slice %arg7[%dma_start3A_434] : memref<32768xf32, #tpu.memory_space<vmem>> -> memref<4096xf32, #tpu.memory_space<vmem>>
      %dma_start3A_436 = tpu.memref_slice %arg4[%add3A_384] : memref<26214400xf32, #tpu.memory_space<hbm>> -> memref<4096xf32, #tpu.memory_space<hbm>>
      %dma_start3A_437 = tpu.memref_slice %arg4[%add3A_384] : memref<26214400xf32, #tpu.memory_space<hbm>> -> memref<4096xf32, #tpu.memory_space<hbm>>
      %dma_start3A_438 = arith.constant 0 : i32
      %dma_start3A_439 = tpu.memref_slice %arg7[%dma_start3A_438] : memref<32768xf32, #tpu.memory_space<vmem>> -> memref<4096xf32, #tpu.memory_space<vmem>>
      tpu.enqueue_dma source(%dma_start3A_439 : memref<4096xf32, #tpu.memory_space<vmem>>) target(%dma_start3A_437 : memref<4096xf32, #tpu.memory_space<hbm>>) target_semaphore(%arg12 : memref<!tpu.dma_semaphore, #tpu.memory_space<semaphore_mem>>)
      %dma_start3A_440 = arith.constant 4096 : i32
      %dma_start3A_441 = tpu.memref_slice %arg7[%dma_start3A_440] : memref<32768xf32, #tpu.memory_space<vmem>> -> memref<4096xf32, #tpu.memory_space<vmem>>
      %dma_start3A_442 = tpu.memref_slice %arg4[%add3A_391] : memref<26214400xf32, #tpu.memory_space<hbm>> -> memref<4096xf32, #tpu.memory_space<hbm>>
      %dma_start3A_443 = tpu.memref_slice %arg4[%add3A_391] : memref<26214400xf32, #tpu.memory_space<hbm>> -> memref<4096xf32, #tpu.memory_space<hbm>>
      %dma_start3A_444 = arith.constant 4096 : i32
      %dma_start3A_445 = tpu.memref_slice %arg7[%dma_start3A_444] : memref<32768xf32, #tpu.memory_space<vmem>> -> memref<4096xf32, #tpu.memory_space<vmem>>
      tpu.enqueue_dma source(%dma_start3A_445 : memref<4096xf32, #tpu.memory_space<vmem>>) target(%dma_start3A_443 : memref<4096xf32, #tpu.memory_space<hbm>>) target_semaphore(%arg12 : memref<!tpu.dma_semaphore, #tpu.memory_space<semaphore_mem>>)
      %dma_start3A_446 = arith.constant 8192 : i32
      %dma_start3A_447 = tpu.memref_slice %arg7[%dma_start3A_446] : memref<32768xf32, #tpu.memory_space<vmem>> -> memref<4096xf32, #tpu.memory_space<vmem>>
      %dma_start3A_448 = tpu.memref_slice %arg4[%add3A_398] : memref<26214400xf32, #tpu.memory_space<hbm>> -> memref<4096xf32, #tpu.memory_space<hbm>>
      %dma_start3A_449 = tpu.memref_slice %arg4[%add3A_398] : memref<26214400xf32, #tpu.memory_space<hbm>> -> memref<4096xf32, #tpu.memory_space<hbm>>
      %dma_start3A_450 = arith.constant 8192 : i32
      %dma_start3A_451 = tpu.memref_slice %arg7[%dma_start3A_450] : memref<32768xf32, #tpu.memory_space<vmem>> -> memref<4096xf32, #tpu.memory_space<vmem>>
      tpu.enqueue_dma source(%dma_start3A_451 : memref<4096xf32, #tpu.memory_space<vmem>>) target(%dma_start3A_449 : memref<4096xf32, #tpu.memory_space<hbm>>) target_semaphore(%arg12 : memref<!tpu.dma_semaphore, #tpu.memory_space<semaphore_mem>>)
      %dma_start3A_452 = arith.constant 12288 : i32
      %dma_start3A_453 = tpu.memref_slice %arg7[%dma_start3A_452] : memref<32768xf32, #tpu.memory_space<vmem>> -> memref<4096xf32, #tpu.memory_space<vmem>>
      %dma_start3A_454 = tpu.memref_slice %arg4[%add3A_405] : memref<26214400xf32, #tpu.memory_space<hbm>> -> memref<4096xf32, #tpu.memory_space<hbm>>
      %dma_start3A_455 = tpu.memref_slice %arg4[%add3A_405] : memref<26214400xf32, #tpu.memory_space<hbm>> -> memref<4096xf32, #tpu.memory_space<hbm>>
      %dma_start3A_456 = arith.constant 12288 : i32
      %dma_start3A_457 = tpu.memref_slice %arg7[%dma_start3A_456] : memref<32768xf32, #tpu.memory_space<vmem>> -> memref<4096xf32, #tpu.memory_space<vmem>>
      tpu.enqueue_dma source(%dma_start3A_457 : memref<4096xf32, #tpu.memory_space<vmem>>) target(%dma_start3A_455 : memref<4096xf32, #tpu.memory_space<hbm>>) target_semaphore(%arg12 : memref<!tpu.dma_semaphore, #tpu.memory_space<semaphore_mem>>)
      %dma_start3A_458 = arith.constant 16384 : i32
      %dma_start3A_459 = tpu.memref_slice %arg7[%dma_start3A_458] : memref<32768xf32, #tpu.memory_space<vmem>> -> memref<4096xf32, #tpu.memory_space<vmem>>
      %dma_start3A_460 = tpu.memref_slice %arg4[%add3A_412] : memref<26214400xf32, #tpu.memory_space<hbm>> -> memref<4096xf32, #tpu.memory_space<hbm>>
      %dma_start3A_461 = tpu.memref_slice %arg4[%add3A_412] : memref<26214400xf32, #tpu.memory_space<hbm>> -> memref<4096xf32, #tpu.memory_space<hbm>>
      %dma_start3A_462 = arith.constant 16384 : i32
      %dma_start3A_463 = tpu.memref_slice %arg7[%dma_start3A_462] : memref<32768xf32, #tpu.memory_space<vmem>> -> memref<4096xf32, #tpu.memory_space<vmem>>
      tpu.enqueue_dma source(%dma_start3A_463 : memref<4096xf32, #tpu.memory_space<vmem>>) target(%dma_start3A_461 : memref<4096xf32, #tpu.memory_space<hbm>>) target_semaphore(%arg12 : memref<!tpu.dma_semaphore, #tpu.memory_space<semaphore_mem>>)
      %dma_start3A_464 = arith.constant 20480 : i32
      %dma_start3A_465 = tpu.memref_slice %arg7[%dma_start3A_464] : memref<32768xf32, #tpu.memory_space<vmem>> -> memref<4096xf32, #tpu.memory_space<vmem>>
      %dma_start3A_466 = tpu.memref_slice %arg4[%add3A_419] : memref<26214400xf32, #tpu.memory_space<hbm>> -> memref<4096xf32, #tpu.memory_space<hbm>>
      %dma_start3A_467 = tpu.memref_slice %arg4[%add3A_419] : memref<26214400xf32, #tpu.memory_space<hbm>> -> memref<4096xf32, #tpu.memory_space<hbm>>
      %dma_start3A_468 = arith.constant 20480 : i32
      %dma_start3A_469 = tpu.memref_slice %arg7[%dma_start3A_468] : memref<32768xf32, #tpu.memory_space<vmem>> -> memref<4096xf32, #tpu.memory_space<vmem>>
      tpu.enqueue_dma source(%dma_start3A_469 : memref<4096xf32, #tpu.memory_space<vmem>>) target(%dma_start3A_467 : memref<4096xf32, #tpu.memory_space<hbm>>) target_semaphore(%arg12 : memref<!tpu.dma_semaphore, #tpu.memory_space<semaphore_mem>>)
      %dma_start3A_470 = arith.constant 24576 : i32
      %dma_start3A_471 = tpu.memref_slice %arg7[%dma_start3A_470] : memref<32768xf32, #tpu.memory_space<vmem>> -> memref<4096xf32, #tpu.memory_space<vmem>>
      %dma_start3A_472 = tpu.memref_slice %arg4[%add3A_426] : memref<26214400xf32, #tpu.memory_space<hbm>> -> memref<4096xf32, #tpu.memory_space<hbm>>
      %dma_start3A_473 = tpu.memref_slice %arg4[%add3A_426] : memref<26214400xf32, #tpu.memory_space<hbm>> -> memref<4096xf32, #tpu.memory_space<hbm>>
      %dma_start3A_474 = arith.constant 24576 : i32
      %dma_start3A_475 = tpu.memref_slice %arg7[%dma_start3A_474] : memref<32768xf32, #tpu.memory_space<vmem>> -> memref<4096xf32, #tpu.memory_space<vmem>>
      tpu.enqueue_dma source(%dma_start3A_475 : memref<4096xf32, #tpu.memory_space<vmem>>) target(%dma_start3A_473 : memref<4096xf32, #tpu.memory_space<hbm>>) target_semaphore(%arg12 : memref<!tpu.dma_semaphore, #tpu.memory_space<semaphore_mem>>)
      %dma_start3A_476 = arith.constant 28672 : i32
      %dma_start3A_477 = tpu.memref_slice %arg7[%dma_start3A_476] : memref<32768xf32, #tpu.memory_space<vmem>> -> memref<4096xf32, #tpu.memory_space<vmem>>
      %dma_start3A_478 = tpu.memref_slice %arg4[%add3A_433] : memref<26214400xf32, #tpu.memory_space<hbm>> -> memref<4096xf32, #tpu.memory_space<hbm>>
      %dma_start3A_479 = tpu.memref_slice %arg4[%add3A_433] : memref<26214400xf32, #tpu.memory_space<hbm>> -> memref<4096xf32, #tpu.memory_space<hbm>>
      %dma_start3A_480 = arith.constant 28672 : i32
      %dma_start3A_481 = tpu.memref_slice %arg7[%dma_start3A_480] : memref<32768xf32, #tpu.memory_space<vmem>> -> memref<4096xf32, #tpu.memory_space<vmem>>
      tpu.enqueue_dma source(%dma_start3A_481 : memref<4096xf32, #tpu.memory_space<vmem>>) target(%dma_start3A_479 : memref<4096xf32, #tpu.memory_space<hbm>>) target_semaphore(%arg12 : memref<!tpu.dma_semaphore, #tpu.memory_space<semaphore_mem>>)
      %add3A_482 = arith.constant 2 : i32
      %add3A_483 = arith.addi %add3A_365, %add3A_482 : i32
      %lt3A = arith.constant 25 : i32
      %lt3A_484 = arith.cmpi slt, %add3A_483, %lt3A : i32
      %convert_element_type3A_485 = arith.extui %lt3A_484 : i1 to i32
      %cond3A_486 = arith.constant 0 : i32
      %cond3A_487 = arith.cmpi ne, %convert_element_type3A_485, %cond3A_486 : i32
      scf.if %cond3A_487 {
        %add3A_619 = arith.constant 2 : i32
        %add3A_620 = arith.addi %add3A_365, %add3A_619 : i32
        %mul3A_621 = arith.constant 131072 : i32
        %mul3A_622 = arith.muli %add3A_620, %mul3A_621 : i32
        %mul3A_623 = arith.constant 4096 : i32
        %mul3A_624 = arith.muli %add3A, %mul3A_623 : i32
        %add3A_625 = arith.addi %mul3A_622, %mul3A_624 : i32
        %dma_start3A_626 = tpu.memref_slice %arg2[%add3A_625] : memref<3276800xi32, #tpu.memory_space<hbm>> -> memref<4096xi32, #tpu.memory_space<hbm>>
        %dma_start3A_627 = tpu.memref_slice %arg2[%add3A_625] : memref<3276800xi32, #tpu.memory_space<hbm>> -> memref<4096xi32, #tpu.memory_space<hbm>>
        tpu.enqueue_dma source(%dma_start3A_627 : memref<4096xi32, #tpu.memory_space<hbm>>) target(%arg5 : memref<4096xi32, #tpu.memory_space<vmem>>) target_semaphore(%arg10 : memref<!tpu.dma_semaphore, #tpu.memory_space<semaphore_mem>>)
      } else {
      }
      %mul3A_488 = arith.constant 2 : i32
      %mul3A_489 = arith.muli %scan3A_360, %mul3A_488 : i32
      %add3A_490 = arith.constant 1 : i32
      %add3A_491 = arith.addi %mul3A_489, %add3A_490 : i32
      %mul3A_492 = arith.constant 131072 : i32
      %mul3A_493 = arith.muli %add3A_491, %mul3A_492 : i32
      %mul3A_494 = arith.constant 4096 : i32
      %mul3A_495 = arith.muli %add3A, %mul3A_494 : i32
      %add3A_496 = arith.addi %mul3A_493, %mul3A_495 : i32
      %dma_wait3A_497 = tpu.memref_slice %arg2[%add3A_496] : memref<3276800xi32, #tpu.memory_space<hbm>> -> memref<4096xi32, #tpu.memory_space<hbm>>
      %dma_wait3A_498 = tpu.memref_slice %arg2[%add3A_496] : memref<3276800xi32, #tpu.memory_space<hbm>> -> memref<4096xi32, #tpu.memory_space<hbm>>
      tpu.wait_dma2 semaphore(%arg11 : memref<!tpu.dma_semaphore, #tpu.memory_space<semaphore_mem>>) src(%dma_wait3A_498 : memref<4096xi32, #tpu.memory_space<hbm>>) dst(%arg6 : memref<4096xi32, #tpu.memory_space<vmem>>)
      %ge3A_499 = arith.constant 2 : i32
      %ge3A_500 = arith.cmpi sge, %add3A_491, %ge3A_499 : i32
      %convert_element_type3A_501 = arith.extui %ge3A_500 : i1 to i32
      %cond3A_502 = arith.constant 0 : i32
      %cond3A_503 = arith.cmpi ne, %convert_element_type3A_501, %cond3A_502 : i32
      scf.if %cond3A_503 {
        %sub3A = arith.constant 2 : i32
        %sub3A_619 = arith.subi %add3A_491, %sub3A : i32
        %mul3A_620 = arith.constant 1048576 : i32
        %mul3A_621 = arith.muli %sub3A_619, %mul3A_620 : i32
        %add3A_622 = arith.constant 0 : i32
        %add3A_623 = arith.addi %mul3A_621, %add3A_622 : i32
        %mul3A_624 = arith.constant 4096 : i32
        %mul3A_625 = arith.muli %add3A, %mul3A_624 : i32
        %add3A_626 = arith.addi %add3A_623, %mul3A_625 : i32
        %mul3A_627 = arith.constant 1048576 : i32
        %mul3A_628 = arith.muli %sub3A_619, %mul3A_627 : i32
        %add3A_629 = arith.constant 131072 : i32
        %add3A_630 = arith.addi %mul3A_628, %add3A_629 : i32
        %mul3A_631 = arith.constant 4096 : i32
        %mul3A_632 = arith.muli %add3A, %mul3A_631 : i32
        %add3A_633 = arith.addi %add3A_630, %mul3A_632 : i32
        %mul3A_634 = arith.constant 1048576 : i32
        %mul3A_635 = arith.muli %sub3A_619, %mul3A_634 : i32
        %add3A_636 = arith.constant 262144 : i32
        %add3A_637 = arith.addi %mul3A_635, %add3A_636 : i32
        %mul3A_638 = arith.constant 4096 : i32
        %mul3A_639 = arith.muli %add3A, %mul3A_638 : i32
        %add3A_640 = arith.addi %add3A_637, %mul3A_639 : i32
        %mul3A_641 = arith.constant 1048576 : i32
        %mul3A_642 = arith.muli %sub3A_619, %mul3A_641 : i32
        %add3A_643 = arith.constant 393216 : i32
        %add3A_644 = arith.addi %mul3A_642, %add3A_643 : i32
        %mul3A_645 = arith.constant 4096 : i32
        %mul3A_646 = arith.muli %add3A, %mul3A_645 : i32
        %add3A_647 = arith.addi %add3A_644, %mul3A_646 : i32
        %mul3A_648 = arith.constant 1048576 : i32
        %mul3A_649 = arith.muli %sub3A_619, %mul3A_648 : i32
        %add3A_650 = arith.constant 524288 : i32
        %add3A_651 = arith.addi %mul3A_649, %add3A_650 : i32
        %mul3A_652 = arith.constant 4096 : i32
        %mul3A_653 = arith.muli %add3A, %mul3A_652 : i32
        %add3A_654 = arith.addi %add3A_651, %mul3A_653 : i32
        %mul3A_655 = arith.constant 1048576 : i32
        %mul3A_656 = arith.muli %sub3A_619, %mul3A_655 : i32
        %add3A_657 = arith.constant 655360 : i32
        %add3A_658 = arith.addi %mul3A_656, %add3A_657 : i32
        %mul3A_659 = arith.constant 4096 : i32
        %mul3A_660 = arith.muli %add3A, %mul3A_659 : i32
        %add3A_661 = arith.addi %add3A_658, %mul3A_660 : i32
        %mul3A_662 = arith.constant 1048576 : i32
        %mul3A_663 = arith.muli %sub3A_619, %mul3A_662 : i32
        %add3A_664 = arith.constant 786432 : i32
        %add3A_665 = arith.addi %mul3A_663, %add3A_664 : i32
        %mul3A_666 = arith.constant 4096 : i32
        %mul3A_667 = arith.muli %add3A, %mul3A_666 : i32
        %add3A_668 = arith.addi %add3A_665, %mul3A_667 : i32
        %mul3A_669 = arith.constant 1048576 : i32
        %mul3A_670 = arith.muli %sub3A_619, %mul3A_669 : i32
        %add3A_671 = arith.constant 917504 : i32
        %add3A_672 = arith.addi %mul3A_670, %add3A_671 : i32
        %mul3A_673 = arith.constant 4096 : i32
        %mul3A_674 = arith.muli %add3A, %mul3A_673 : i32
        %add3A_675 = arith.addi %add3A_672, %mul3A_674 : i32
        %dma_wait3A_676 = arith.constant 0 : i32
        %dma_wait3A_677 = tpu.memref_slice %arg8[%dma_wait3A_676] : memref<32768xf32, #tpu.memory_space<vmem>> -> memref<4096xf32, #tpu.memory_space<vmem>>
        %dma_wait3A_678 = tpu.memref_slice %arg4[%add3A_626] : memref<26214400xf32, #tpu.memory_space<hbm>> -> memref<4096xf32, #tpu.memory_space<hbm>>
        %dma_wait3A_679 = tpu.memref_slice %arg4[%add3A_626] : memref<26214400xf32, #tpu.memory_space<hbm>> -> memref<4096xf32, #tpu.memory_space<hbm>>
        %dma_wait3A_680 = arith.constant 0 : i32
        %dma_wait3A_681 = tpu.memref_slice %arg8[%dma_wait3A_680] : memref<32768xf32, #tpu.memory_space<vmem>> -> memref<4096xf32, #tpu.memory_space<vmem>>
        tpu.wait_dma2 semaphore(%arg13 : memref<!tpu.dma_semaphore, #tpu.memory_space<semaphore_mem>>) src(%dma_wait3A_681 : memref<4096xf32, #tpu.memory_space<vmem>>) dst(%dma_wait3A_679 : memref<4096xf32, #tpu.memory_space<hbm>>)
        %dma_wait3A_682 = arith.constant 4096 : i32
        %dma_wait3A_683 = tpu.memref_slice %arg8[%dma_wait3A_682] : memref<32768xf32, #tpu.memory_space<vmem>> -> memref<4096xf32, #tpu.memory_space<vmem>>
        %dma_wait3A_684 = tpu.memref_slice %arg4[%add3A_633] : memref<26214400xf32, #tpu.memory_space<hbm>> -> memref<4096xf32, #tpu.memory_space<hbm>>
        %dma_wait3A_685 = tpu.memref_slice %arg4[%add3A_633] : memref<26214400xf32, #tpu.memory_space<hbm>> -> memref<4096xf32, #tpu.memory_space<hbm>>
        %dma_wait3A_686 = arith.constant 4096 : i32
        %dma_wait3A_687 = tpu.memref_slice %arg8[%dma_wait3A_686] : memref<32768xf32, #tpu.memory_space<vmem>> -> memref<4096xf32, #tpu.memory_space<vmem>>
        tpu.wait_dma2 semaphore(%arg13 : memref<!tpu.dma_semaphore, #tpu.memory_space<semaphore_mem>>) src(%dma_wait3A_687 : memref<4096xf32, #tpu.memory_space<vmem>>) dst(%dma_wait3A_685 : memref<4096xf32, #tpu.memory_space<hbm>>)
        %dma_wait3A_688 = arith.constant 8192 : i32
        %dma_wait3A_689 = tpu.memref_slice %arg8[%dma_wait3A_688] : memref<32768xf32, #tpu.memory_space<vmem>> -> memref<4096xf32, #tpu.memory_space<vmem>>
        %dma_wait3A_690 = tpu.memref_slice %arg4[%add3A_640] : memref<26214400xf32, #tpu.memory_space<hbm>> -> memref<4096xf32, #tpu.memory_space<hbm>>
        %dma_wait3A_691 = tpu.memref_slice %arg4[%add3A_640] : memref<26214400xf32, #tpu.memory_space<hbm>> -> memref<4096xf32, #tpu.memory_space<hbm>>
        %dma_wait3A_692 = arith.constant 8192 : i32
        %dma_wait3A_693 = tpu.memref_slice %arg8[%dma_wait3A_692] : memref<32768xf32, #tpu.memory_space<vmem>> -> memref<4096xf32, #tpu.memory_space<vmem>>
        tpu.wait_dma2 semaphore(%arg13 : memref<!tpu.dma_semaphore, #tpu.memory_space<semaphore_mem>>) src(%dma_wait3A_693 : memref<4096xf32, #tpu.memory_space<vmem>>) dst(%dma_wait3A_691 : memref<4096xf32, #tpu.memory_space<hbm>>)
        %dma_wait3A_694 = arith.constant 12288 : i32
        %dma_wait3A_695 = tpu.memref_slice %arg8[%dma_wait3A_694] : memref<32768xf32, #tpu.memory_space<vmem>> -> memref<4096xf32, #tpu.memory_space<vmem>>
        %dma_wait3A_696 = tpu.memref_slice %arg4[%add3A_647] : memref<26214400xf32, #tpu.memory_space<hbm>> -> memref<4096xf32, #tpu.memory_space<hbm>>
        %dma_wait3A_697 = tpu.memref_slice %arg4[%add3A_647] : memref<26214400xf32, #tpu.memory_space<hbm>> -> memref<4096xf32, #tpu.memory_space<hbm>>
        %dma_wait3A_698 = arith.constant 12288 : i32
        %dma_wait3A_699 = tpu.memref_slice %arg8[%dma_wait3A_698] : memref<32768xf32, #tpu.memory_space<vmem>> -> memref<4096xf32, #tpu.memory_space<vmem>>
        tpu.wait_dma2 semaphore(%arg13 : memref<!tpu.dma_semaphore, #tpu.memory_space<semaphore_mem>>) src(%dma_wait3A_699 : memref<4096xf32, #tpu.memory_space<vmem>>) dst(%dma_wait3A_697 : memref<4096xf32, #tpu.memory_space<hbm>>)
        %dma_wait3A_700 = arith.constant 16384 : i32
        %dma_wait3A_701 = tpu.memref_slice %arg8[%dma_wait3A_700] : memref<32768xf32, #tpu.memory_space<vmem>> -> memref<4096xf32, #tpu.memory_space<vmem>>
        %dma_wait3A_702 = tpu.memref_slice %arg4[%add3A_654] : memref<26214400xf32, #tpu.memory_space<hbm>> -> memref<4096xf32, #tpu.memory_space<hbm>>
        %dma_wait3A_703 = tpu.memref_slice %arg4[%add3A_654] : memref<26214400xf32, #tpu.memory_space<hbm>> -> memref<4096xf32, #tpu.memory_space<hbm>>
        %dma_wait3A_704 = arith.constant 16384 : i32
        %dma_wait3A_705 = tpu.memref_slice %arg8[%dma_wait3A_704] : memref<32768xf32, #tpu.memory_space<vmem>> -> memref<4096xf32, #tpu.memory_space<vmem>>
        tpu.wait_dma2 semaphore(%arg13 : memref<!tpu.dma_semaphore, #tpu.memory_space<semaphore_mem>>) src(%dma_wait3A_705 : memref<4096xf32, #tpu.memory_space<vmem>>) dst(%dma_wait3A_703 : memref<4096xf32, #tpu.memory_space<hbm>>)
        %dma_wait3A_706 = arith.constant 20480 : i32
        %dma_wait3A_707 = tpu.memref_slice %arg8[%dma_wait3A_706] : memref<32768xf32, #tpu.memory_space<vmem>> -> memref<4096xf32, #tpu.memory_space<vmem>>
        %dma_wait3A_708 = tpu.memref_slice %arg4[%add3A_661] : memref<26214400xf32, #tpu.memory_space<hbm>> -> memref<4096xf32, #tpu.memory_space<hbm>>
        %dma_wait3A_709 = tpu.memref_slice %arg4[%add3A_661] : memref<26214400xf32, #tpu.memory_space<hbm>> -> memref<4096xf32, #tpu.memory_space<hbm>>
        %dma_wait3A_710 = arith.constant 20480 : i32
        %dma_wait3A_711 = tpu.memref_slice %arg8[%dma_wait3A_710] : memref<32768xf32, #tpu.memory_space<vmem>> -> memref<4096xf32, #tpu.memory_space<vmem>>
        tpu.wait_dma2 semaphore(%arg13 : memref<!tpu.dma_semaphore, #tpu.memory_space<semaphore_mem>>) src(%dma_wait3A_711 : memref<4096xf32, #tpu.memory_space<vmem>>) dst(%dma_wait3A_709 : memref<4096xf32, #tpu.memory_space<hbm>>)
        %dma_wait3A_712 = arith.constant 24576 : i32
        %dma_wait3A_713 = tpu.memref_slice %arg8[%dma_wait3A_712] : memref<32768xf32, #tpu.memory_space<vmem>> -> memref<4096xf32, #tpu.memory_space<vmem>>
        %dma_wait3A_714 = tpu.memref_slice %arg4[%add3A_668] : memref<26214400xf32, #tpu.memory_space<hbm>> -> memref<4096xf32, #tpu.memory_space<hbm>>
        %dma_wait3A_715 = tpu.memref_slice %arg4[%add3A_668] : memref<26214400xf32, #tpu.memory_space<hbm>> -> memref<4096xf32, #tpu.memory_space<hbm>>
        %dma_wait3A_716 = arith.constant 24576 : i32
        %dma_wait3A_717 = tpu.memref_slice %arg8[%dma_wait3A_716] : memref<32768xf32, #tpu.memory_space<vmem>> -> memref<4096xf32, #tpu.memory_space<vmem>>
        tpu.wait_dma2 semaphore(%arg13 : memref<!tpu.dma_semaphore, #tpu.memory_space<semaphore_mem>>) src(%dma_wait3A_717 : memref<4096xf32, #tpu.memory_space<vmem>>) dst(%dma_wait3A_715 : memref<4096xf32, #tpu.memory_space<hbm>>)
        %dma_wait3A_718 = arith.constant 28672 : i32
        %dma_wait3A_719 = tpu.memref_slice %arg8[%dma_wait3A_718] : memref<32768xf32, #tpu.memory_space<vmem>> -> memref<4096xf32, #tpu.memory_space<vmem>>
        %dma_wait3A_720 = tpu.memref_slice %arg4[%add3A_675] : memref<26214400xf32, #tpu.memory_space<hbm>> -> memref<4096xf32, #tpu.memory_space<hbm>>
        %dma_wait3A_721 = tpu.memref_slice %arg4[%add3A_675] : memref<26214400xf32, #tpu.memory_space<hbm>> -> memref<4096xf32, #tpu.memory_space<hbm>>
        %dma_wait3A_722 = arith.constant 28672 : i32
        %dma_wait3A_723 = tpu.memref_slice %arg8[%dma_wait3A_722] : memref<32768xf32, #tpu.memory_space<vmem>> -> memref<4096xf32, #tpu.memory_space<vmem>>
        tpu.wait_dma2 semaphore(%arg13 : memref<!tpu.dma_semaphore, #tpu.memory_space<semaphore_mem>>) src(%dma_wait3A_723 : memref<4096xf32, #tpu.memory_space<vmem>>) dst(%dma_wait3A_721 : memref<4096xf32, #tpu.memory_space<hbm>>)
      } else {
      }
      %parallel_loop3A_504 = arith.constant 0 : i32
      %parallel_loop3A_505 = arith.constant 256 : i32
      %parallel_loop3A_506 = arith.constant 1 : i32
      scf.for %parallel_loop3A_619 = %parallel_loop3A_504 to %parallel_loop3A_505 step %parallel_loop3A_506  : i32 {
        %parallel_loop3A_620 = arith.constant 16 : i32
        %parallel_loop3A_621 = arith.muli %parallel_loop3A_619, %parallel_loop3A_620 : i32
        %parallel_loop3A_622 = arith.index_cast %parallel_loop3A_621 : i32 to index
        %parallel_loop3A_623 = tpu.vector_load %arg6[%parallel_loop3A_622] {strides = array<i32>} : memref<4096xi32, #tpu.memory_space<vmem>>, vector<16xi32>,
        %parallel_loop3A_624 = arith.constant 3 : i32
        %parallel_loop3A_625 = arith.shrsi %parallel_loop3A_619, %parallel_loop3A_624 : i32
        %parallel_loop3A_626 = arith.constant 7 : i32
        %parallel_loop3A_627 = arith.andi %parallel_loop3A_625, %parallel_loop3A_626 : i32
        %parallel_loop3A_628 = arith.constant 4096 : i32
        %parallel_loop3A_629 = arith.muli %parallel_loop3A_627, %parallel_loop3A_628 : i32
        %parallel_loop3A_630 = arith.constant 6 : i32
        %parallel_loop3A_631 = arith.shrsi %parallel_loop3A_619, %parallel_loop3A_630 : i32
        %parallel_loop3A_632 = arith.constant 1024 : i32
        %parallel_loop3A_633 = arith.muli %parallel_loop3A_631, %parallel_loop3A_632 : i32
        %parallel_loop3A_634 = arith.addi %parallel_loop3A_629, %parallel_loop3A_633 : i32
        %parallel_loop3A_635 = arith.constant 7 : i32
        %parallel_loop3A_636 = arith.andi %parallel_loop3A_619, %parallel_loop3A_635 : i32
        %parallel_loop3A_637 = arith.constant 16 : i32
        %parallel_loop3A_638 = arith.muli %parallel_loop3A_636, %parallel_loop3A_637 : i32
        %parallel_loop3A_639 = arith.addi %parallel_loop3A_634, %parallel_loop3A_638 : i32
        %parallel_loop3A_640 = arith.constant 0 : i32
        %parallel_loop3A_641 = vector.broadcast %parallel_loop3A_640 : i32 to vector<16xi32>
        %parallel_loop3A_642 = arith.cmpi slt, %parallel_loop3A_623, %parallel_loop3A_641 : vector<16xi32>
        %parallel_loop3A_643 = arith.constant 16 : i32
        %parallel_loop3A_644 = vector.broadcast %parallel_loop3A_643 : i32 to vector<16xi32>
        %parallel_loop3A_645 = arith.addi %parallel_loop3A_623, %parallel_loop3A_644 : vector<16xi32>
        %parallel_loop3A_646 = arith.select %parallel_loop3A_642, %parallel_loop3A_645, %parallel_loop3A_623 : vector<16xi1>, vector<16xi32>
        %parallel_loop3A_647 = vector.shape_cast %parallel_loop3A_646 : vector<16xi32> to vector<16x1xi32>
        %parallel_loop3A_648 = vector.shape_cast %parallel_loop3A_647 : vector<16x1xi32> to vector<16xi32>
        %parallel_loop3A_649 = tpu.dynamic_gather %get3A_1[%parallel_loop3A_648] in [0] : vector<16xf32>, vector<16xi32> -> vector<16xf32>
        %parallel_loop3A_650 = arith.constant 0 : i32
        %parallel_loop3A_651 = arith.addi %parallel_loop3A_639, %parallel_loop3A_650 : i32
        %parallel_loop3A_652 = arith.index_cast %parallel_loop3A_651 : i32 to index
        %parallel_loop3A_653 = tpu.vector_load %arg8[%parallel_loop3A_652] {strides = array<i32>} : memref<32768xf32, #tpu.memory_space<vmem>>, vector<16xf32>,
        tpu.vector_store %arg8[%parallel_loop3A_652], %parallel_loop3A_649 {strides = array<i32>} : memref<32768xf32, #tpu.memory_space<vmem>>, vector<16xf32>,
        %parallel_loop3A_654 = arith.constant 0 : i32
        %parallel_loop3A_655 = vector.broadcast %parallel_loop3A_654 : i32 to vector<16xi32>
        %parallel_loop3A_656 = arith.cmpi slt, %parallel_loop3A_623, %parallel_loop3A_655 : vector<16xi32>
        %parallel_loop3A_657 = arith.constant 16 : i32
        %parallel_loop3A_658 = vector.broadcast %parallel_loop3A_657 : i32 to vector<16xi32>
        %parallel_loop3A_659 = arith.addi %parallel_loop3A_623, %parallel_loop3A_658 : vector<16xi32>
        %parallel_loop3A_660 = arith.select %parallel_loop3A_656, %parallel_loop3A_659, %parallel_loop3A_623 : vector<16xi1>, vector<16xi32>
        %parallel_loop3A_661 = vector.shape_cast %parallel_loop3A_660 : vector<16xi32> to vector<16x1xi32>
        %parallel_loop3A_662 = vector.shape_cast %parallel_loop3A_661 : vector<16x1xi32> to vector<16xi32>
        %parallel_loop3A_663 = tpu.dynamic_gather %get3A_3[%parallel_loop3A_662] in [0] : vector<16xf32>, vector<16xi32> -> vector<16xf32>
        %parallel_loop3A_664 = arith.constant 128 : i32
        %parallel_loop3A_665 = arith.addi %parallel_loop3A_639, %parallel_loop3A_664 : i32
        %parallel_loop3A_666 = arith.index_cast %parallel_loop3A_665 : i32 to index
        %parallel_loop3A_667 = tpu.vector_load %arg8[%parallel_loop3A_666] {strides = array<i32>} : memref<32768xf32, #tpu.memory_space<vmem>>, vector<16xf32>,
        tpu.vector_store %arg8[%parallel_loop3A_666], %parallel_loop3A_663 {strides = array<i32>} : memref<32768xf32, #tpu.memory_space<vmem>>, vector<16xf32>,
        %parallel_loop3A_668 = arith.constant 0 : i32
        %parallel_loop3A_669 = vector.broadcast %parallel_loop3A_668 : i32 to vector<16xi32>
        %parallel_loop3A_670 = arith.cmpi slt, %parallel_loop3A_623, %parallel_loop3A_669 : vector<16xi32>
        %parallel_loop3A_671 = arith.constant 16 : i32
        %parallel_loop3A_672 = vector.broadcast %parallel_loop3A_671 : i32 to vector<16xi32>
        %parallel_loop3A_673 = arith.addi %parallel_loop3A_623, %parallel_loop3A_672 : vector<16xi32>
        %parallel_loop3A_674 = arith.select %parallel_loop3A_670, %parallel_loop3A_673, %parallel_loop3A_623 : vector<16xi1>, vector<16xi32>
        %parallel_loop3A_675 = vector.shape_cast %parallel_loop3A_674 : vector<16xi32> to vector<16x1xi32>
        %parallel_loop3A_676 = vector.shape_cast %parallel_loop3A_675 : vector<16x1xi32> to vector<16xi32>
        %parallel_loop3A_677 = tpu.dynamic_gather %get3A_5[%parallel_loop3A_676] in [0] : vector<16xf32>, vector<16xi32> -> vector<16xf32>
        %parallel_loop3A_678 = arith.constant 256 : i32
        %parallel_loop3A_679 = arith.addi %parallel_loop3A_639, %parallel_loop3A_678 : i32
        %parallel_loop3A_680 = arith.index_cast %parallel_loop3A_679 : i32 to index
        %parallel_loop3A_681 = tpu.vector_load %arg8[%parallel_loop3A_680] {strides = array<i32>} : memref<32768xf32, #tpu.memory_space<vmem>>, vector<16xf32>,
        tpu.vector_store %arg8[%parallel_loop3A_680], %parallel_loop3A_677 {strides = array<i32>} : memref<32768xf32, #tpu.memory_space<vmem>>, vector<16xf32>,
        %parallel_loop3A_682 = arith.constant 0 : i32
        %parallel_loop3A_683 = vector.broadcast %parallel_loop3A_682 : i32 to vector<16xi32>
        %parallel_loop3A_684 = arith.cmpi slt, %parallel_loop3A_623, %parallel_loop3A_683 : vector<16xi32>
        %parallel_loop3A_685 = arith.constant 16 : i32
        %parallel_loop3A_686 = vector.broadcast %parallel_loop3A_685 : i32 to vector<16xi32>
        %parallel_loop3A_687 = arith.addi %parallel_loop3A_623, %parallel_loop3A_686 : vector<16xi32>
        %parallel_loop3A_688 = arith.select %parallel_loop3A_684, %parallel_loop3A_687, %parallel_loop3A_623 : vector<16xi1>, vector<16xi32>
        %parallel_loop3A_689 = vector.shape_cast %parallel_loop3A_688 : vector<16xi32> to vector<16x1xi32>
        %parallel_loop3A_690 = vector.shape_cast %parallel_loop3A_689 : vector<16x1xi32> to vector<16xi32>
        %parallel_loop3A_691 = tpu.dynamic_gather %get3A_7[%parallel_loop3A_690] in [0] : vector<16xf32>, vector<16xi32> -> vector<16xf32>
        %parallel_loop3A_692 = arith.constant 384 : i32
        %parallel_loop3A_693 = arith.addi %parallel_loop3A_639, %parallel_loop3A_692 : i32
        %parallel_loop3A_694 = arith.index_cast %parallel_loop3A_693 : i32 to index
        %parallel_loop3A_695 = tpu.vector_load %arg8[%parallel_loop3A_694] {strides = array<i32>} : memref<32768xf32, #tpu.memory_space<vmem>>, vector<16xf32>,
        tpu.vector_store %arg8[%parallel_loop3A_694], %parallel_loop3A_691 {strides = array<i32>} : memref<32768xf32, #tpu.memory_space<vmem>>, vector<16xf32>,
        %parallel_loop3A_696 = arith.constant 0 : i32
        %parallel_loop3A_697 = vector.broadcast %parallel_loop3A_696 : i32 to vector<16xi32>
        %parallel_loop3A_698 = arith.cmpi slt, %parallel_loop3A_623, %parallel_loop3A_697 : vector<16xi32>
        %parallel_loop3A_699 = arith.constant 16 : i32
        %parallel_loop3A_700 = vector.broadcast %parallel_loop3A_699 : i32 to vector<16xi32>
        %parallel_loop3A_701 = arith.addi %parallel_loop3A_623, %parallel_loop3A_700 : vector<16xi32>
        %parallel_loop3A_702 = arith.select %parallel_loop3A_698, %parallel_loop3A_701, %parallel_loop3A_623 : vector<16xi1>, vector<16xi32>
        %parallel_loop3A_703 = vector.shape_cast %parallel_loop3A_702 : vector<16xi32> to vector<16x1xi32>
        %parallel_loop3A_704 = vector.shape_cast %parallel_loop3A_703 : vector<16x1xi32> to vector<16xi32>
        %parallel_loop3A_705 = tpu.dynamic_gather %get3A_9[%parallel_loop3A_704] in [0] : vector<16xf32>, vector<16xi32> -> vector<16xf32>
        %parallel_loop3A_706 = arith.constant 512 : i32
        %parallel_loop3A_707 = arith.addi %parallel_loop3A_639, %parallel_loop3A_706 : i32
        %parallel_loop3A_708 = arith.index_cast %parallel_loop3A_707 : i32 to index
        %parallel_loop3A_709 = tpu.vector_load %arg8[%parallel_loop3A_708] {strides = array<i32>} : memref<32768xf32, #tpu.memory_space<vmem>>, vector<16xf32>,
        tpu.vector_store %arg8[%parallel_loop3A_708], %parallel_loop3A_705 {strides = array<i32>} : memref<32768xf32, #tpu.memory_space<vmem>>, vector<16xf32>,
        %parallel_loop3A_710 = arith.constant 0 : i32
        %parallel_loop3A_711 = vector.broadcast %parallel_loop3A_710 : i32 to vector<16xi32>
        %parallel_loop3A_712 = arith.cmpi slt, %parallel_loop3A_623, %parallel_loop3A_711 : vector<16xi32>
        %parallel_loop3A_713 = arith.constant 16 : i32
        %parallel_loop3A_714 = vector.broadcast %parallel_loop3A_713 : i32 to vector<16xi32>
        %parallel_loop3A_715 = arith.addi %parallel_loop3A_623, %parallel_loop3A_714 : vector<16xi32>
        %parallel_loop3A_716 = arith.select %parallel_loop3A_712, %parallel_loop3A_715, %parallel_loop3A_623 : vector<16xi1>, vector<16xi32>
        %parallel_loop3A_717 = vector.shape_cast %parallel_loop3A_716 : vector<16xi32> to vector<16x1xi32>
        %parallel_loop3A_718 = vector.shape_cast %parallel_loop3A_717 : vector<16x1xi32> to vector<16xi32>
        %parallel_loop3A_719 = tpu.dynamic_gather %get3A_11[%parallel_loop3A_718] in [0] : vector<16xf32>, vector<16xi32> -> vector<16xf32>
        %parallel_loop3A_720 = arith.constant 640 : i32
        %parallel_loop3A_721 = arith.addi %parallel_loop3A_639, %parallel_loop3A_720 : i32
        %parallel_loop3A_722 = arith.index_cast %parallel_loop3A_721 : i32 to index
        %parallel_loop3A_723 = tpu.vector_load %arg8[%parallel_loop3A_722] {strides = array<i32>} : memref<32768xf32, #tpu.memory_space<vmem>>, vector<16xf32>,
        tpu.vector_store %arg8[%parallel_loop3A_722], %parallel_loop3A_719 {strides = array<i32>} : memref<32768xf32, #tpu.memory_space<vmem>>, vector<16xf32>,
        %parallel_loop3A_724 = arith.constant 0 : i32
        %parallel_loop3A_725 = vector.broadcast %parallel_loop3A_724 : i32 to vector<16xi32>
        %parallel_loop3A_726 = arith.cmpi slt, %parallel_loop3A_623, %parallel_loop3A_725 : vector<16xi32>
        %parallel_loop3A_727 = arith.constant 16 : i32
        %parallel_loop3A_728 = vector.broadcast %parallel_loop3A_727 : i32 to vector<16xi32>
        %parallel_loop3A_729 = arith.addi %parallel_loop3A_623, %parallel_loop3A_728 : vector<16xi32>
        %parallel_loop3A_730 = arith.select %parallel_loop3A_726, %parallel_loop3A_729, %parallel_loop3A_623 : vector<16xi1>, vector<16xi32>
        %parallel_loop3A_731 = vector.shape_cast %parallel_loop3A_730 : vector<16xi32> to vector<16x1xi32>
        %parallel_loop3A_732 = vector.shape_cast %parallel_loop3A_731 : vector<16x1xi32> to vector<16xi32>
        %parallel_loop3A_733 = tpu.dynamic_gather %get3A_13[%parallel_loop3A_732] in [0] : vector<16xf32>, vector<16xi32> -> vector<16xf32>
        %parallel_loop3A_734 = arith.constant 768 : i32
        %parallel_loop3A_735 = arith.addi %parallel_loop3A_639, %parallel_loop3A_734 : i32
        %parallel_loop3A_736 = arith.index_cast %parallel_loop3A_735 : i32 to index
        %parallel_loop3A_737 = tpu.vector_load %arg8[%parallel_loop3A_736] {strides = array<i32>} : memref<32768xf32, #tpu.memory_space<vmem>>, vector<16xf32>,
        tpu.vector_store %arg8[%parallel_loop3A_736], %parallel_loop3A_733 {strides = array<i32>} : memref<32768xf32, #tpu.memory_space<vmem>>, vector<16xf32>,
        %parallel_loop3A_738 = arith.constant 0 : i32
        %parallel_loop3A_739 = vector.broadcast %parallel_loop3A_738 : i32 to vector<16xi32>
        %parallel_loop3A_740 = arith.cmpi slt, %parallel_loop3A_623, %parallel_loop3A_739 : vector<16xi32>
        %parallel_loop3A_741 = arith.constant 16 : i32
        %parallel_loop3A_742 = vector.broadcast %parallel_loop3A_741 : i32 to vector<16xi32>
        %parallel_loop3A_743 = arith.addi %parallel_loop3A_623, %parallel_loop3A_742 : vector<16xi32>
        %parallel_loop3A_744 = arith.select %parallel_loop3A_740, %parallel_loop3A_743, %parallel_loop3A_623 : vector<16xi1>, vector<16xi32>
        %parallel_loop3A_745 = vector.shape_cast %parallel_loop3A_744 : vector<16xi32> to vector<16x1xi32>
        %parallel_loop3A_746 = vector.shape_cast %parallel_loop3A_745 : vector<16x1xi32> to vector<16xi32>
        %parallel_loop3A_747 = tpu.dynamic_gather %get3A_15[%parallel_loop3A_746] in [0] : vector<16xf32>, vector<16xi32> -> vector<16xf32>
        %parallel_loop3A_748 = arith.constant 896 : i32
        %parallel_loop3A_749 = arith.addi %parallel_loop3A_639, %parallel_loop3A_748 : i32
        %parallel_loop3A_750 = arith.index_cast %parallel_loop3A_749 : i32 to index
        %parallel_loop3A_751 = tpu.vector_load %arg8[%parallel_loop3A_750] {strides = array<i32>} : memref<32768xf32, #tpu.memory_space<vmem>>, vector<16xf32>,
        tpu.vector_store %arg8[%parallel_loop3A_750], %parallel_loop3A_747 {strides = array<i32>} : memref<32768xf32, #tpu.memory_space<vmem>>, vector<16xf32>,
      } {sc.loop_unroll_factor = 8 : i64, sc.parallel_access}
      %mul3A_507 = arith.constant 1048576 : i32
      %mul3A_508 = arith.muli %add3A_491, %mul3A_507 : i32
      %add3A_509 = arith.constant 0 : i32
      %add3A_510 = arith.addi %mul3A_508, %add3A_509 : i32
      %mul3A_511 = arith.constant 4096 : i32
      %mul3A_512 = arith.muli %add3A, %mul3A_511 : i32
      %add3A_513 = arith.addi %add3A_510, %mul3A_512 : i32
      %mul3A_514 = arith.constant 1048576 : i32
      %mul3A_515 = arith.muli %add3A_491, %mul3A_514 : i32
      %add3A_516 = arith.constant 131072 : i32
      %add3A_517 = arith.addi %mul3A_515, %add3A_516 : i32
      %mul3A_518 = arith.constant 4096 : i32
      %mul3A_519 = arith.muli %add3A, %mul3A_518 : i32
      %add3A_520 = arith.addi %add3A_517, %mul3A_519 : i32
      %mul3A_521 = arith.constant 1048576 : i32
      %mul3A_522 = arith.muli %add3A_491, %mul3A_521 : i32
      %add3A_523 = arith.constant 262144 : i32
      %add3A_524 = arith.addi %mul3A_522, %add3A_523 : i32
      %mul3A_525 = arith.constant 4096 : i32
      %mul3A_526 = arith.muli %add3A, %mul3A_525 : i32
      %add3A_527 = arith.addi %add3A_524, %mul3A_526 : i32
      %mul3A_528 = arith.constant 1048576 : i32
      %mul3A_529 = arith.muli %add3A_491, %mul3A_528 : i32
      %add3A_530 = arith.constant 393216 : i32
      %add3A_531 = arith.addi %mul3A_529, %add3A_530 : i32
      %mul3A_532 = arith.constant 4096 : i32
      %mul3A_533 = arith.muli %add3A, %mul3A_532 : i32
      %add3A_534 = arith.addi %add3A_531, %mul3A_533 : i32
      %mul3A_535 = arith.constant 1048576 : i32
      %mul3A_536 = arith.muli %add3A_491, %mul3A_535 : i32
      %add3A_537 = arith.constant 524288 : i32
      %add3A_538 = arith.addi %mul3A_536, %add3A_537 : i32
      %mul3A_539 = arith.constant 4096 : i32
      %mul3A_540 = arith.muli %add3A, %mul3A_539 : i32
      %add3A_541 = arith.addi %add3A_538, %mul3A_540 : i32
      %mul3A_542 = arith.constant 1048576 : i32
      %mul3A_543 = arith.muli %add3A_491, %mul3A_542 : i32
      %add3A_544 = arith.constant 655360 : i32
      %add3A_545 = arith.addi %mul3A_543, %add3A_544 : i32
      %mul3A_546 = arith.constant 4096 : i32
      %mul3A_547 = arith.muli %add3A, %mul3A_546 : i32
      %add3A_548 = arith.addi %add3A_545, %mul3A_547 : i32
      %mul3A_549 = arith.constant 1048576 : i32
      %mul3A_550 = arith.muli %add3A_491, %mul3A_549 : i32
      %add3A_551 = arith.constant 786432 : i32
      %add3A_552 = arith.addi %mul3A_550, %add3A_551 : i32
      %mul3A_553 = arith.constant 4096 : i32
      %mul3A_554 = arith.muli %add3A, %mul3A_553 : i32
      %add3A_555 = arith.addi %add3A_552, %mul3A_554 : i32
      %mul3A_556 = arith.constant 1048576 : i32
      %mul3A_557 = arith.muli %add3A_491, %mul3A_556 : i32
      %add3A_558 = arith.constant 917504 : i32
      %add3A_559 = arith.addi %mul3A_557, %add3A_558 : i32
      %mul3A_560 = arith.constant 4096 : i32
      %mul3A_561 = arith.muli %add3A, %mul3A_560 : i32
      %add3A_562 = arith.addi %add3A_559, %mul3A_561 : i32
      %dma_start3A_563 = arith.constant 0 : i32
      %dma_start3A_564 = tpu.memref_slice %arg8[%dma_start3A_563] : memref<32768xf32, #tpu.memory_space<vmem>> -> memref<4096xf32, #tpu.memory_space<vmem>>
      %dma_start3A_565 = tpu.memref_slice %arg4[%add3A_513] : memref<26214400xf32, #tpu.memory_space<hbm>> -> memref<4096xf32, #tpu.memory_space<hbm>>
      %dma_start3A_566 = tpu.memref_slice %arg4[%add3A_513] : memref<26214400xf32, #tpu.memory_space<hbm>> -> memref<4096xf32, #tpu.memory_space<hbm>>
      %dma_start3A_567 = arith.constant 0 : i32
      %dma_start3A_568 = tpu.memref_slice %arg8[%dma_start3A_567] : memref<32768xf32, #tpu.memory_space<vmem>> -> memref<4096xf32, #tpu.memory_space<vmem>>
      tpu.enqueue_dma source(%dma_start3A_568 : memref<4096xf32, #tpu.memory_space<vmem>>) target(%dma_start3A_566 : memref<4096xf32, #tpu.memory_space<hbm>>) target_semaphore(%arg13 : memref<!tpu.dma_semaphore, #tpu.memory_space<semaphore_mem>>)
      %dma_start3A_569 = arith.constant 4096 : i32
      %dma_start3A_570 = tpu.memref_slice %arg8[%dma_start3A_569] : memref<32768xf32, #tpu.memory_space<vmem>> -> memref<4096xf32, #tpu.memory_space<vmem>>
      %dma_start3A_571 = tpu.memref_slice %arg4[%add3A_520] : memref<26214400xf32, #tpu.memory_space<hbm>> -> memref<4096xf32, #tpu.memory_space<hbm>>
      %dma_start3A_572 = tpu.memref_slice %arg4[%add3A_520] : memref<26214400xf32, #tpu.memory_space<hbm>> -> memref<4096xf32, #tpu.memory_space<hbm>>
      %dma_start3A_573 = arith.constant 4096 : i32
      %dma_start3A_574 = tpu.memref_slice %arg8[%dma_start3A_573] : memref<32768xf32, #tpu.memory_space<vmem>> -> memref<4096xf32, #tpu.memory_space<vmem>>
      tpu.enqueue_dma source(%dma_start3A_574 : memref<4096xf32, #tpu.memory_space<vmem>>) target(%dma_start3A_572 : memref<4096xf32, #tpu.memory_space<hbm>>) target_semaphore(%arg13 : memref<!tpu.dma_semaphore, #tpu.memory_space<semaphore_mem>>)
      %dma_start3A_575 = arith.constant 8192 : i32
      %dma_start3A_576 = tpu.memref_slice %arg8[%dma_start3A_575] : memref<32768xf32, #tpu.memory_space<vmem>> -> memref<4096xf32, #tpu.memory_space<vmem>>
      %dma_start3A_577 = tpu.memref_slice %arg4[%add3A_527] : memref<26214400xf32, #tpu.memory_space<hbm>> -> memref<4096xf32, #tpu.memory_space<hbm>>
      %dma_start3A_578 = tpu.memref_slice %arg4[%add3A_527] : memref<26214400xf32, #tpu.memory_space<hbm>> -> memref<4096xf32, #tpu.memory_space<hbm>>
      %dma_start3A_579 = arith.constant 8192 : i32
      %dma_start3A_580 = tpu.memref_slice %arg8[%dma_start3A_579] : memref<32768xf32, #tpu.memory_space<vmem>> -> memref<4096xf32, #tpu.memory_space<vmem>>
      tpu.enqueue_dma source(%dma_start3A_580 : memref<4096xf32, #tpu.memory_space<vmem>>) target(%dma_start3A_578 : memref<4096xf32, #tpu.memory_space<hbm>>) target_semaphore(%arg13 : memref<!tpu.dma_semaphore, #tpu.memory_space<semaphore_mem>>)
      %dma_start3A_581 = arith.constant 12288 : i32
      %dma_start3A_582 = tpu.memref_slice %arg8[%dma_start3A_581] : memref<32768xf32, #tpu.memory_space<vmem>> -> memref<4096xf32, #tpu.memory_space<vmem>>
      %dma_start3A_583 = tpu.memref_slice %arg4[%add3A_534] : memref<26214400xf32, #tpu.memory_space<hbm>> -> memref<4096xf32, #tpu.memory_space<hbm>>
      %dma_start3A_584 = tpu.memref_slice %arg4[%add3A_534] : memref<26214400xf32, #tpu.memory_space<hbm>> -> memref<4096xf32, #tpu.memory_space<hbm>>
      %dma_start3A_585 = arith.constant 12288 : i32
      %dma_start3A_586 = tpu.memref_slice %arg8[%dma_start3A_585] : memref<32768xf32, #tpu.memory_space<vmem>> -> memref<4096xf32, #tpu.memory_space<vmem>>
      tpu.enqueue_dma source(%dma_start3A_586 : memref<4096xf32, #tpu.memory_space<vmem>>) target(%dma_start3A_584 : memref<4096xf32, #tpu.memory_space<hbm>>) target_semaphore(%arg13 : memref<!tpu.dma_semaphore, #tpu.memory_space<semaphore_mem>>)
      %dma_start3A_587 = arith.constant 16384 : i32
      %dma_start3A_588 = tpu.memref_slice %arg8[%dma_start3A_587] : memref<32768xf32, #tpu.memory_space<vmem>> -> memref<4096xf32, #tpu.memory_space<vmem>>
      %dma_start3A_589 = tpu.memref_slice %arg4[%add3A_541] : memref<26214400xf32, #tpu.memory_space<hbm>> -> memref<4096xf32, #tpu.memory_space<hbm>>
      %dma_start3A_590 = tpu.memref_slice %arg4[%add3A_541] : memref<26214400xf32, #tpu.memory_space<hbm>> -> memref<4096xf32, #tpu.memory_space<hbm>>
      %dma_start3A_591 = arith.constant 16384 : i32
      %dma_start3A_592 = tpu.memref_slice %arg8[%dma_start3A_591] : memref<32768xf32, #tpu.memory_space<vmem>> -> memref<4096xf32, #tpu.memory_space<vmem>>
      tpu.enqueue_dma source(%dma_start3A_592 : memref<4096xf32, #tpu.memory_space<vmem>>) target(%dma_start3A_590 : memref<4096xf32, #tpu.memory_space<hbm>>) target_semaphore(%arg13 : memref<!tpu.dma_semaphore, #tpu.memory_space<semaphore_mem>>)
      %dma_start3A_593 = arith.constant 20480 : i32
      %dma_start3A_594 = tpu.memref_slice %arg8[%dma_start3A_593] : memref<32768xf32, #tpu.memory_space<vmem>> -> memref<4096xf32, #tpu.memory_space<vmem>>
      %dma_start3A_595 = tpu.memref_slice %arg4[%add3A_548] : memref<26214400xf32, #tpu.memory_space<hbm>> -> memref<4096xf32, #tpu.memory_space<hbm>>
      %dma_start3A_596 = tpu.memref_slice %arg4[%add3A_548] : memref<26214400xf32, #tpu.memory_space<hbm>> -> memref<4096xf32, #tpu.memory_space<hbm>>
      %dma_start3A_597 = arith.constant 20480 : i32
      %dma_start3A_598 = tpu.memref_slice %arg8[%dma_start3A_597] : memref<32768xf32, #tpu.memory_space<vmem>> -> memref<4096xf32, #tpu.memory_space<vmem>>
      tpu.enqueue_dma source(%dma_start3A_598 : memref<4096xf32, #tpu.memory_space<vmem>>) target(%dma_start3A_596 : memref<4096xf32, #tpu.memory_space<hbm>>) target_semaphore(%arg13 : memref<!tpu.dma_semaphore, #tpu.memory_space<semaphore_mem>>)
      %dma_start3A_599 = arith.constant 24576 : i32
      %dma_start3A_600 = tpu.memref_slice %arg8[%dma_start3A_599] : memref<32768xf32, #tpu.memory_space<vmem>> -> memref<4096xf32, #tpu.memory_space<vmem>>
      %dma_start3A_601 = tpu.memref_slice %arg4[%add3A_555] : memref<26214400xf32, #tpu.memory_space<hbm>> -> memref<4096xf32, #tpu.memory_space<hbm>>
      %dma_start3A_602 = tpu.memref_slice %arg4[%add3A_555] : memref<26214400xf32, #tpu.memory_space<hbm>> -> memref<4096xf32, #tpu.memory_space<hbm>>
      %dma_start3A_603 = arith.constant 24576 : i32
      %dma_start3A_604 = tpu.memref_slice %arg8[%dma_start3A_603] : memref<32768xf32, #tpu.memory_space<vmem>> -> memref<4096xf32, #tpu.memory_space<vmem>>
      tpu.enqueue_dma source(%dma_start3A_604 : memref<4096xf32, #tpu.memory_space<vmem>>) target(%dma_start3A_602 : memref<4096xf32, #tpu.memory_space<hbm>>) target_semaphore(%arg13 : memref<!tpu.dma_semaphore, #tpu.memory_space<semaphore_mem>>)
      %dma_start3A_605 = arith.constant 28672 : i32
      %dma_start3A_606 = tpu.memref_slice %arg8[%dma_start3A_605] : memref<32768xf32, #tpu.memory_space<vmem>> -> memref<4096xf32, #tpu.memory_space<vmem>>
      %dma_start3A_607 = tpu.memref_slice %arg4[%add3A_562] : memref<26214400xf32, #tpu.memory_space<hbm>> -> memref<4096xf32, #tpu.memory_space<hbm>>
      %dma_start3A_608 = tpu.memref_slice %arg4[%add3A_562] : memref<26214400xf32, #tpu.memory_space<hbm>> -> memref<4096xf32, #tpu.memory_space<hbm>>
      %dma_start3A_609 = arith.constant 28672 : i32
      %dma_start3A_610 = tpu.memref_slice %arg8[%dma_start3A_609] : memref<32768xf32, #tpu.memory_space<vmem>> -> memref<4096xf32, #tpu.memory_space<vmem>>
      tpu.enqueue_dma source(%dma_start3A_610 : memref<4096xf32, #tpu.memory_space<vmem>>) target(%dma_start3A_608 : memref<4096xf32, #tpu.memory_space<hbm>>) target_semaphore(%arg13 : memref<!tpu.dma_semaphore, #tpu.memory_space<semaphore_mem>>)
      %add3A_611 = arith.constant 2 : i32
      %add3A_612 = arith.addi %add3A_491, %add3A_611 : i32
      %lt3A_613 = arith.constant 25 : i32
      %lt3A_614 = arith.cmpi slt, %add3A_612, %lt3A_613 : i32
      %convert_element_type3A_615 = arith.extui %lt3A_614 : i1 to i32
      %cond3A_616 = arith.constant 0 : i32
      %cond3A_617 = arith.cmpi ne, %convert_element_type3A_615, %cond3A_616 : i32
      scf.if %cond3A_617 {
        %add3A_619 = arith.constant 2 : i32
        %add3A_620 = arith.addi %add3A_491, %add3A_619 : i32
        %mul3A_621 = arith.constant 131072 : i32
        %mul3A_622 = arith.muli %add3A_620, %mul3A_621 : i32
        %mul3A_623 = arith.constant 4096 : i32
        %mul3A_624 = arith.muli %add3A, %mul3A_623 : i32
        %add3A_625 = arith.addi %mul3A_622, %mul3A_624 : i32
        %dma_start3A_626 = tpu.memref_slice %arg2[%add3A_625] : memref<3276800xi32, #tpu.memory_space<hbm>> -> memref<4096xi32, #tpu.memory_space<hbm>>
        %dma_start3A_627 = tpu.memref_slice %arg2[%add3A_625] : memref<3276800xi32, #tpu.memory_space<hbm>> -> memref<4096xi32, #tpu.memory_space<hbm>>
        tpu.enqueue_dma source(%dma_start3A_627 : memref<4096xi32, #tpu.memory_space<hbm>>) target(%arg6 : memref<4096xi32, #tpu.memory_space<vmem>>) target_semaphore(%arg11 : memref<!tpu.dma_semaphore, #tpu.memory_space<semaphore_mem>>)
      } else {
      }
      %scan3A_618 = arith.constant 0 : i32
      scf.yield %scan3A_618 : i32
    }
    %scan3A_32 = arith.constant 12 : i32
    %mul3A_33 = arith.constant 4096 : i32
    %mul3A_34 = arith.muli %add3A, %mul3A_33 : i32
    %add3A_35 = arith.constant 3145728 : i32
    %add3A_36 = arith.addi %add3A_35, %mul3A_34 : i32
    %dma_wait3A = tpu.memref_slice %arg2[%add3A_36] : memref<3276800xi32, #tpu.memory_space<hbm>> -> memref<4096xi32, #tpu.memory_space<hbm>>
    %dma_wait3A_37 = tpu.memref_slice %arg2[%add3A_36] : memref<3276800xi32, #tpu.memory_space<hbm>> -> memref<4096xi32, #tpu.memory_space<hbm>>
    tpu.wait_dma2 semaphore(%arg10 : memref<!tpu.dma_semaphore, #tpu.memory_space<semaphore_mem>>) src(%dma_wait3A_37 : memref<4096xi32, #tpu.memory_space<hbm>>) dst(%arg5 : memref<4096xi32, #tpu.memory_space<vmem>>)
    %mul3A_38 = arith.constant 4096 : i32
    %mul3A_39 = arith.muli %add3A, %mul3A_38 : i32
    %add3A_40 = arith.constant 23068672 : i32
    %add3A_41 = arith.addi %add3A_40, %mul3A_39 : i32
    %mul3A_42 = arith.constant 4096 : i32
    %mul3A_43 = arith.muli %add3A, %mul3A_42 : i32
    %add3A_44 = arith.constant 23199744 : i32
    %add3A_45 = arith.addi %add3A_44, %mul3A_43 : i32
    %mul3A_46 = arith.constant 4096 : i32
    %mul3A_47 = arith.muli %add3A, %mul3A_46 : i32
    %add3A_48 = arith.constant 23330816 : i32
    %add3A_49 = arith.addi %add3A_48, %mul3A_47 : i32
    %mul3A_50 = arith.constant 4096 : i32
    %mul3A_51 = arith.muli %add3A, %mul3A_50 : i32
    %add3A_52 = arith.constant 23461888 : i32
    %add3A_53 = arith.addi %add3A_52, %mul3A_51 : i32
    %mul3A_54 = arith.constant 4096 : i32
    %mul3A_55 = arith.muli %add3A, %mul3A_54 : i32
    %add3A_56 = arith.constant 23592960 : i32
    %add3A_57 = arith.addi %add3A_56, %mul3A_55 : i32
    %mul3A_58 = arith.constant 4096 : i32
    %mul3A_59 = arith.muli %add3A, %mul3A_58 : i32
    %add3A_60 = arith.constant 23724032 : i32
    %add3A_61 = arith.addi %add3A_60, %mul3A_59 : i32
    %mul3A_62 = arith.constant 4096 : i32
    %mul3A_63 = arith.muli %add3A, %mul3A_62 : i32
    %add3A_64 = arith.constant 23855104 : i32
    %add3A_65 = arith.addi %add3A_64, %mul3A_63 : i32
    %mul3A_66 = arith.constant 4096 : i32
    %mul3A_67 = arith.muli %add3A, %mul3A_66 : i32
    %add3A_68 = arith.constant 23986176 : i32
    %add3A_69 = arith.addi %add3A_68, %mul3A_67 : i32
    %dma_wait3A_70 = arith.constant 0 : i32
    %dma_wait3A_71 = tpu.memref_slice %arg7[%dma_wait3A_70] : memref<32768xf32, #tpu.memory_space<vmem>> -> memref<4096xf32, #tpu.memory_space<vmem>>
    %dma_wait3A_72 = tpu.memref_slice %arg4[%add3A_41] : memref<26214400xf32, #tpu.memory_space<hbm>> -> memref<4096xf32, #tpu.memory_space<hbm>>
    %dma_wait3A_73 = tpu.memref_slice %arg4[%add3A_41] : memref<26214400xf32, #tpu.memory_space<hbm>> -> memref<4096xf32, #tpu.memory_space<hbm>>
    %dma_wait3A_74 = arith.constant 0 : i32
    %dma_wait3A_75 = tpu.memref_slice %arg7[%dma_wait3A_74] : memref<32768xf32, #tpu.memory_space<vmem>> -> memref<4096xf32, #tpu.memory_space<vmem>>
    tpu.wait_dma2 semaphore(%arg12 : memref<!tpu.dma_semaphore, #tpu.memory_space<semaphore_mem>>) src(%dma_wait3A_75 : memref<4096xf32, #tpu.memory_space<vmem>>) dst(%dma_wait3A_73 : memref<4096xf32, #tpu.memory_space<hbm>>)
    %dma_wait3A_76 = arith.constant 4096 : i32
    %dma_wait3A_77 = tpu.memref_slice %arg7[%dma_wait3A_76] : memref<32768xf32, #tpu.memory_space<vmem>> -> memref<4096xf32, #tpu.memory_space<vmem>>
    %dma_wait3A_78 = tpu.memref_slice %arg4[%add3A_45] : memref<26214400xf32, #tpu.memory_space<hbm>> -> memref<4096xf32, #tpu.memory_space<hbm>>
    %dma_wait3A_79 = tpu.memref_slice %arg4[%add3A_45] : memref<26214400xf32, #tpu.memory_space<hbm>> -> memref<4096xf32, #tpu.memory_space<hbm>>
    %dma_wait3A_80 = arith.constant 4096 : i32
    %dma_wait3A_81 = tpu.memref_slice %arg7[%dma_wait3A_80] : memref<32768xf32, #tpu.memory_space<vmem>> -> memref<4096xf32, #tpu.memory_space<vmem>>
    tpu.wait_dma2 semaphore(%arg12 : memref<!tpu.dma_semaphore, #tpu.memory_space<semaphore_mem>>) src(%dma_wait3A_81 : memref<4096xf32, #tpu.memory_space<vmem>>) dst(%dma_wait3A_79 : memref<4096xf32, #tpu.memory_space<hbm>>)
    %dma_wait3A_82 = arith.constant 8192 : i32
    %dma_wait3A_83 = tpu.memref_slice %arg7[%dma_wait3A_82] : memref<32768xf32, #tpu.memory_space<vmem>> -> memref<4096xf32, #tpu.memory_space<vmem>>
    %dma_wait3A_84 = tpu.memref_slice %arg4[%add3A_49] : memref<26214400xf32, #tpu.memory_space<hbm>> -> memref<4096xf32, #tpu.memory_space<hbm>>
    %dma_wait3A_85 = tpu.memref_slice %arg4[%add3A_49] : memref<26214400xf32, #tpu.memory_space<hbm>> -> memref<4096xf32, #tpu.memory_space<hbm>>
    %dma_wait3A_86 = arith.constant 8192 : i32
    %dma_wait3A_87 = tpu.memref_slice %arg7[%dma_wait3A_86] : memref<32768xf32, #tpu.memory_space<vmem>> -> memref<4096xf32, #tpu.memory_space<vmem>>
    tpu.wait_dma2 semaphore(%arg12 : memref<!tpu.dma_semaphore, #tpu.memory_space<semaphore_mem>>) src(%dma_wait3A_87 : memref<4096xf32, #tpu.memory_space<vmem>>) dst(%dma_wait3A_85 : memref<4096xf32, #tpu.memory_space<hbm>>)
    %dma_wait3A_88 = arith.constant 12288 : i32
    %dma_wait3A_89 = tpu.memref_slice %arg7[%dma_wait3A_88] : memref<32768xf32, #tpu.memory_space<vmem>> -> memref<4096xf32, #tpu.memory_space<vmem>>
    %dma_wait3A_90 = tpu.memref_slice %arg4[%add3A_53] : memref<26214400xf32, #tpu.memory_space<hbm>> -> memref<4096xf32, #tpu.memory_space<hbm>>
    %dma_wait3A_91 = tpu.memref_slice %arg4[%add3A_53] : memref<26214400xf32, #tpu.memory_space<hbm>> -> memref<4096xf32, #tpu.memory_space<hbm>>
    %dma_wait3A_92 = arith.constant 12288 : i32
    %dma_wait3A_93 = tpu.memref_slice %arg7[%dma_wait3A_92] : memref<32768xf32, #tpu.memory_space<vmem>> -> memref<4096xf32, #tpu.memory_space<vmem>>
    tpu.wait_dma2 semaphore(%arg12 : memref<!tpu.dma_semaphore, #tpu.memory_space<semaphore_mem>>) src(%dma_wait3A_93 : memref<4096xf32, #tpu.memory_space<vmem>>) dst(%dma_wait3A_91 : memref<4096xf32, #tpu.memory_space<hbm>>)
    %dma_wait3A_94 = arith.constant 16384 : i32
    %dma_wait3A_95 = tpu.memref_slice %arg7[%dma_wait3A_94] : memref<32768xf32, #tpu.memory_space<vmem>> -> memref<4096xf32, #tpu.memory_space<vmem>>
    %dma_wait3A_96 = tpu.memref_slice %arg4[%add3A_57] : memref<26214400xf32, #tpu.memory_space<hbm>> -> memref<4096xf32, #tpu.memory_space<hbm>>
    %dma_wait3A_97 = tpu.memref_slice %arg4[%add3A_57] : memref<26214400xf32, #tpu.memory_space<hbm>> -> memref<4096xf32, #tpu.memory_space<hbm>>
    %dma_wait3A_98 = arith.constant 16384 : i32
    %dma_wait3A_99 = tpu.memref_slice %arg7[%dma_wait3A_98] : memref<32768xf32, #tpu.memory_space<vmem>> -> memref<4096xf32, #tpu.memory_space<vmem>>
    tpu.wait_dma2 semaphore(%arg12 : memref<!tpu.dma_semaphore, #tpu.memory_space<semaphore_mem>>) src(%dma_wait3A_99 : memref<4096xf32, #tpu.memory_space<vmem>>) dst(%dma_wait3A_97 : memref<4096xf32, #tpu.memory_space<hbm>>)
    %dma_wait3A_100 = arith.constant 20480 : i32
    %dma_wait3A_101 = tpu.memref_slice %arg7[%dma_wait3A_100] : memref<32768xf32, #tpu.memory_space<vmem>> -> memref<4096xf32, #tpu.memory_space<vmem>>
    %dma_wait3A_102 = tpu.memref_slice %arg4[%add3A_61] : memref<26214400xf32, #tpu.memory_space<hbm>> -> memref<4096xf32, #tpu.memory_space<hbm>>
    %dma_wait3A_103 = tpu.memref_slice %arg4[%add3A_61] : memref<26214400xf32, #tpu.memory_space<hbm>> -> memref<4096xf32, #tpu.memory_space<hbm>>
    %dma_wait3A_104 = arith.constant 20480 : i32
    %dma_wait3A_105 = tpu.memref_slice %arg7[%dma_wait3A_104] : memref<32768xf32, #tpu.memory_space<vmem>> -> memref<4096xf32, #tpu.memory_space<vmem>>
    tpu.wait_dma2 semaphore(%arg12 : memref<!tpu.dma_semaphore, #tpu.memory_space<semaphore_mem>>) src(%dma_wait3A_105 : memref<4096xf32, #tpu.memory_space<vmem>>) dst(%dma_wait3A_103 : memref<4096xf32, #tpu.memory_space<hbm>>)
    %dma_wait3A_106 = arith.constant 24576 : i32
    %dma_wait3A_107 = tpu.memref_slice %arg7[%dma_wait3A_106] : memref<32768xf32, #tpu.memory_space<vmem>> -> memref<4096xf32, #tpu.memory_space<vmem>>
    %dma_wait3A_108 = tpu.memref_slice %arg4[%add3A_65] : memref<26214400xf32, #tpu.memory_space<hbm>> -> memref<4096xf32, #tpu.memory_space<hbm>>
    %dma_wait3A_109 = tpu.memref_slice %arg4[%add3A_65] : memref<26214400xf32, #tpu.memory_space<hbm>> -> memref<4096xf32, #tpu.memory_space<hbm>>
    %dma_wait3A_110 = arith.constant 24576 : i32
    %dma_wait3A_111 = tpu.memref_slice %arg7[%dma_wait3A_110] : memref<32768xf32, #tpu.memory_space<vmem>> -> memref<4096xf32, #tpu.memory_space<vmem>>
    tpu.wait_dma2 semaphore(%arg12 : memref<!tpu.dma_semaphore, #tpu.memory_space<semaphore_mem>>) src(%dma_wait3A_111 : memref<4096xf32, #tpu.memory_space<vmem>>) dst(%dma_wait3A_109 : memref<4096xf32, #tpu.memory_space<hbm>>)
    %dma_wait3A_112 = arith.constant 28672 : i32
    %dma_wait3A_113 = tpu.memref_slice %arg7[%dma_wait3A_112] : memref<32768xf32, #tpu.memory_space<vmem>> -> memref<4096xf32, #tpu.memory_space<vmem>>
    %dma_wait3A_114 = tpu.memref_slice %arg4[%add3A_69] : memref<26214400xf32, #tpu.memory_space<hbm>> -> memref<4096xf32, #tpu.memory_space<hbm>>
    %dma_wait3A_115 = tpu.memref_slice %arg4[%add3A_69] : memref<26214400xf32, #tpu.memory_space<hbm>> -> memref<4096xf32, #tpu.memory_space<hbm>>
    %dma_wait3A_116 = arith.constant 28672 : i32
    %dma_wait3A_117 = tpu.memref_slice %arg7[%dma_wait3A_116] : memref<32768xf32, #tpu.memory_space<vmem>> -> memref<4096xf32, #tpu.memory_space<vmem>>
    tpu.wait_dma2 semaphore(%arg12 : memref<!tpu.dma_semaphore, #tpu.memory_space<semaphore_mem>>) src(%dma_wait3A_117 : memref<4096xf32, #tpu.memory_space<vmem>>) dst(%dma_wait3A_115 : memref<4096xf32, #tpu.memory_space<hbm>>)
    %parallel_loop3A = arith.constant 0 : i32
    %parallel_loop3A_118 = arith.constant 256 : i32
    %parallel_loop3A_119 = arith.constant 1 : i32
    scf.for %parallel_loop3A_360 = %parallel_loop3A to %parallel_loop3A_118 step %parallel_loop3A_119  : i32 {
      %parallel_loop3A_361 = arith.constant 16 : i32
      %parallel_loop3A_362 = arith.muli %parallel_loop3A_360, %parallel_loop3A_361 : i32
      %parallel_loop3A_363 = arith.index_cast %parallel_loop3A_362 : i32 to index
      %parallel_loop3A_364 = tpu.vector_load %arg5[%parallel_loop3A_363] {strides = array<i32>} : memref<4096xi32, #tpu.memory_space<vmem>>, vector<16xi32>,
      %parallel_loop3A_365 = arith.constant 3 : i32
      %parallel_loop3A_366 = arith.shrsi %parallel_loop3A_360, %parallel_loop3A_365 : i32
      %parallel_loop3A_367 = arith.constant 7 : i32
      %parallel_loop3A_368 = arith.andi %parallel_loop3A_366, %parallel_loop3A_367 : i32
      %parallel_loop3A_369 = arith.constant 4096 : i32
      %parallel_loop3A_370 = arith.muli %parallel_loop3A_368, %parallel_loop3A_369 : i32
      %parallel_loop3A_371 = arith.constant 6 : i32
      %parallel_loop3A_372 = arith.shrsi %parallel_loop3A_360, %parallel_loop3A_371 : i32
      %parallel_loop3A_373 = arith.constant 1024 : i32
      %parallel_loop3A_374 = arith.muli %parallel_loop3A_372, %parallel_loop3A_373 : i32
      %parallel_loop3A_375 = arith.addi %parallel_loop3A_370, %parallel_loop3A_374 : i32
      %parallel_loop3A_376 = arith.constant 7 : i32
      %parallel_loop3A_377 = arith.andi %parallel_loop3A_360, %parallel_loop3A_376 : i32
      %parallel_loop3A_378 = arith.constant 16 : i32
      %parallel_loop3A_379 = arith.muli %parallel_loop3A_377, %parallel_loop3A_378 : i32
      %parallel_loop3A_380 = arith.addi %parallel_loop3A_375, %parallel_loop3A_379 : i32
      %parallel_loop3A_381 = arith.constant 0 : i32
      %parallel_loop3A_382 = vector.broadcast %parallel_loop3A_381 : i32 to vector<16xi32>
      %parallel_loop3A_383 = arith.cmpi slt, %parallel_loop3A_364, %parallel_loop3A_382 : vector<16xi32>
      %parallel_loop3A_384 = arith.constant 16 : i32
      %parallel_loop3A_385 = vector.broadcast %parallel_loop3A_384 : i32 to vector<16xi32>
      %parallel_loop3A_386 = arith.addi %parallel_loop3A_364, %parallel_loop3A_385 : vector<16xi32>
      %parallel_loop3A_387 = arith.select %parallel_loop3A_383, %parallel_loop3A_386, %parallel_loop3A_364 : vector<16xi1>, vector<16xi32>
      %parallel_loop3A_388 = vector.shape_cast %parallel_loop3A_387 : vector<16xi32> to vector<16x1xi32>
      %parallel_loop3A_389 = vector.shape_cast %parallel_loop3A_388 : vector<16x1xi32> to vector<16xi32>
      %parallel_loop3A_390 = tpu.dynamic_gather %get3A_1[%parallel_loop3A_389] in [0] : vector<16xf32>, vector<16xi32> -> vector<16xf32>
      %parallel_loop3A_391 = arith.constant 0 : i32
      %parallel_loop3A_392 = arith.addi %parallel_loop3A_380, %parallel_loop3A_391 : i32
      %parallel_loop3A_393 = arith.index_cast %parallel_loop3A_392 : i32 to index
      %parallel_loop3A_394 = tpu.vector_load %arg7[%parallel_loop3A_393] {strides = array<i32>} : memref<32768xf32, #tpu.memory_space<vmem>>, vector<16xf32>,
      tpu.vector_store %arg7[%parallel_loop3A_393], %parallel_loop3A_390 {strides = array<i32>} : memref<32768xf32, #tpu.memory_space<vmem>>, vector<16xf32>,
      %parallel_loop3A_395 = arith.constant 0 : i32
      %parallel_loop3A_396 = vector.broadcast %parallel_loop3A_395 : i32 to vector<16xi32>
      %parallel_loop3A_397 = arith.cmpi slt, %parallel_loop3A_364, %parallel_loop3A_396 : vector<16xi32>
      %parallel_loop3A_398 = arith.constant 16 : i32
      %parallel_loop3A_399 = vector.broadcast %parallel_loop3A_398 : i32 to vector<16xi32>
      %parallel_loop3A_400 = arith.addi %parallel_loop3A_364, %parallel_loop3A_399 : vector<16xi32>
      %parallel_loop3A_401 = arith.select %parallel_loop3A_397, %parallel_loop3A_400, %parallel_loop3A_364 : vector<16xi1>, vector<16xi32>
      %parallel_loop3A_402 = vector.shape_cast %parallel_loop3A_401 : vector<16xi32> to vector<16x1xi32>
      %parallel_loop3A_403 = vector.shape_cast %parallel_loop3A_402 : vector<16x1xi32> to vector<16xi32>
      %parallel_loop3A_404 = tpu.dynamic_gather %get3A_3[%parallel_loop3A_403] in [0] : vector<16xf32>, vector<16xi32> -> vector<16xf32>
      %parallel_loop3A_405 = arith.constant 128 : i32
      %parallel_loop3A_406 = arith.addi %parallel_loop3A_380, %parallel_loop3A_405 : i32
      %parallel_loop3A_407 = arith.index_cast %parallel_loop3A_406 : i32 to index
      %parallel_loop3A_408 = tpu.vector_load %arg7[%parallel_loop3A_407] {strides = array<i32>} : memref<32768xf32, #tpu.memory_space<vmem>>, vector<16xf32>,
      tpu.vector_store %arg7[%parallel_loop3A_407], %parallel_loop3A_404 {strides = array<i32>} : memref<32768xf32, #tpu.memory_space<vmem>>, vector<16xf32>,
      %parallel_loop3A_409 = arith.constant 0 : i32
      %parallel_loop3A_410 = vector.broadcast %parallel_loop3A_409 : i32 to vector<16xi32>
      %parallel_loop3A_411 = arith.cmpi slt, %parallel_loop3A_364, %parallel_loop3A_410 : vector<16xi32>
      %parallel_loop3A_412 = arith.constant 16 : i32
      %parallel_loop3A_413 = vector.broadcast %parallel_loop3A_412 : i32 to vector<16xi32>
      %parallel_loop3A_414 = arith.addi %parallel_loop3A_364, %parallel_loop3A_413 : vector<16xi32>
      %parallel_loop3A_415 = arith.select %parallel_loop3A_411, %parallel_loop3A_414, %parallel_loop3A_364 : vector<16xi1>, vector<16xi32>
      %parallel_loop3A_416 = vector.shape_cast %parallel_loop3A_415 : vector<16xi32> to vector<16x1xi32>
      %parallel_loop3A_417 = vector.shape_cast %parallel_loop3A_416 : vector<16x1xi32> to vector<16xi32>
      %parallel_loop3A_418 = tpu.dynamic_gather %get3A_5[%parallel_loop3A_417] in [0] : vector<16xf32>, vector<16xi32> -> vector<16xf32>
      %parallel_loop3A_419 = arith.constant 256 : i32
      %parallel_loop3A_420 = arith.addi %parallel_loop3A_380, %parallel_loop3A_419 : i32
      %parallel_loop3A_421 = arith.index_cast %parallel_loop3A_420 : i32 to index
      %parallel_loop3A_422 = tpu.vector_load %arg7[%parallel_loop3A_421] {strides = array<i32>} : memref<32768xf32, #tpu.memory_space<vmem>>, vector<16xf32>,
      tpu.vector_store %arg7[%parallel_loop3A_421], %parallel_loop3A_418 {strides = array<i32>} : memref<32768xf32, #tpu.memory_space<vmem>>, vector<16xf32>,
      %parallel_loop3A_423 = arith.constant 0 : i32
      %parallel_loop3A_424 = vector.broadcast %parallel_loop3A_423 : i32 to vector<16xi32>
      %parallel_loop3A_425 = arith.cmpi slt, %parallel_loop3A_364, %parallel_loop3A_424 : vector<16xi32>
      %parallel_loop3A_426 = arith.constant 16 : i32
      %parallel_loop3A_427 = vector.broadcast %parallel_loop3A_426 : i32 to vector<16xi32>
      %parallel_loop3A_428 = arith.addi %parallel_loop3A_364, %parallel_loop3A_427 : vector<16xi32>
      %parallel_loop3A_429 = arith.select %parallel_loop3A_425, %parallel_loop3A_428, %parallel_loop3A_364 : vector<16xi1>, vector<16xi32>
      %parallel_loop3A_430 = vector.shape_cast %parallel_loop3A_429 : vector<16xi32> to vector<16x1xi32>
      %parallel_loop3A_431 = vector.shape_cast %parallel_loop3A_430 : vector<16x1xi32> to vector<16xi32>
      %parallel_loop3A_432 = tpu.dynamic_gather %get3A_7[%parallel_loop3A_431] in [0] : vector<16xf32>, vector<16xi32> -> vector<16xf32>
      %parallel_loop3A_433 = arith.constant 384 : i32
      %parallel_loop3A_434 = arith.addi %parallel_loop3A_380, %parallel_loop3A_433 : i32
      %parallel_loop3A_435 = arith.index_cast %parallel_loop3A_434 : i32 to index
      %parallel_loop3A_436 = tpu.vector_load %arg7[%parallel_loop3A_435] {strides = array<i32>} : memref<32768xf32, #tpu.memory_space<vmem>>, vector<16xf32>,
      tpu.vector_store %arg7[%parallel_loop3A_435], %parallel_loop3A_432 {strides = array<i32>} : memref<32768xf32, #tpu.memory_space<vmem>>, vector<16xf32>,
      %parallel_loop3A_437 = arith.constant 0 : i32
      %parallel_loop3A_438 = vector.broadcast %parallel_loop3A_437 : i32 to vector<16xi32>
      %parallel_loop3A_439 = arith.cmpi slt, %parallel_loop3A_364, %parallel_loop3A_438 : vector<16xi32>
      %parallel_loop3A_440 = arith.constant 16 : i32
      %parallel_loop3A_441 = vector.broadcast %parallel_loop3A_440 : i32 to vector<16xi32>
      %parallel_loop3A_442 = arith.addi %parallel_loop3A_364, %parallel_loop3A_441 : vector<16xi32>
      %parallel_loop3A_443 = arith.select %parallel_loop3A_439, %parallel_loop3A_442, %parallel_loop3A_364 : vector<16xi1>, vector<16xi32>
      %parallel_loop3A_444 = vector.shape_cast %parallel_loop3A_443 : vector<16xi32> to vector<16x1xi32>
      %parallel_loop3A_445 = vector.shape_cast %parallel_loop3A_444 : vector<16x1xi32> to vector<16xi32>
      %parallel_loop3A_446 = tpu.dynamic_gather %get3A_9[%parallel_loop3A_445] in [0] : vector<16xf32>, vector<16xi32> -> vector<16xf32>
      %parallel_loop3A_447 = arith.constant 512 : i32
      %parallel_loop3A_448 = arith.addi %parallel_loop3A_380, %parallel_loop3A_447 : i32
      %parallel_loop3A_449 = arith.index_cast %parallel_loop3A_448 : i32 to index
      %parallel_loop3A_450 = tpu.vector_load %arg7[%parallel_loop3A_449] {strides = array<i32>} : memref<32768xf32, #tpu.memory_space<vmem>>, vector<16xf32>,
      tpu.vector_store %arg7[%parallel_loop3A_449], %parallel_loop3A_446 {strides = array<i32>} : memref<32768xf32, #tpu.memory_space<vmem>>, vector<16xf32>,
      %parallel_loop3A_451 = arith.constant 0 : i32
      %parallel_loop3A_452 = vector.broadcast %parallel_loop3A_451 : i32 to vector<16xi32>
      %parallel_loop3A_453 = arith.cmpi slt, %parallel_loop3A_364, %parallel_loop3A_452 : vector<16xi32>
      %parallel_loop3A_454 = arith.constant 16 : i32
      %parallel_loop3A_455 = vector.broadcast %parallel_loop3A_454 : i32 to vector<16xi32>
      %parallel_loop3A_456 = arith.addi %parallel_loop3A_364, %parallel_loop3A_455 : vector<16xi32>
      %parallel_loop3A_457 = arith.select %parallel_loop3A_453, %parallel_loop3A_456, %parallel_loop3A_364 : vector<16xi1>, vector<16xi32>
      %parallel_loop3A_458 = vector.shape_cast %parallel_loop3A_457 : vector<16xi32> to vector<16x1xi32>
      %parallel_loop3A_459 = vector.shape_cast %parallel_loop3A_458 : vector<16x1xi32> to vector<16xi32>
      %parallel_loop3A_460 = tpu.dynamic_gather %get3A_11[%parallel_loop3A_459] in [0] : vector<16xf32>, vector<16xi32> -> vector<16xf32>
      %parallel_loop3A_461 = arith.constant 640 : i32
      %parallel_loop3A_462 = arith.addi %parallel_loop3A_380, %parallel_loop3A_461 : i32
      %parallel_loop3A_463 = arith.index_cast %parallel_loop3A_462 : i32 to index
      %parallel_loop3A_464 = tpu.vector_load %arg7[%parallel_loop3A_463] {strides = array<i32>} : memref<32768xf32, #tpu.memory_space<vmem>>, vector<16xf32>,
      tpu.vector_store %arg7[%parallel_loop3A_463], %parallel_loop3A_460 {strides = array<i32>} : memref<32768xf32, #tpu.memory_space<vmem>>, vector<16xf32>,
      %parallel_loop3A_465 = arith.constant 0 : i32
      %parallel_loop3A_466 = vector.broadcast %parallel_loop3A_465 : i32 to vector<16xi32>
      %parallel_loop3A_467 = arith.cmpi slt, %parallel_loop3A_364, %parallel_loop3A_466 : vector<16xi32>
      %parallel_loop3A_468 = arith.constant 16 : i32
      %parallel_loop3A_469 = vector.broadcast %parallel_loop3A_468 : i32 to vector<16xi32>
      %parallel_loop3A_470 = arith.addi %parallel_loop3A_364, %parallel_loop3A_469 : vector<16xi32>
      %parallel_loop3A_471 = arith.select %parallel_loop3A_467, %parallel_loop3A_470, %parallel_loop3A_364 : vector<16xi1>, vector<16xi32>
      %parallel_loop3A_472 = vector.shape_cast %parallel_loop3A_471 : vector<16xi32> to vector<16x1xi32>
      %parallel_loop3A_473 = vector.shape_cast %parallel_loop3A_472 : vector<16x1xi32> to vector<16xi32>
      %parallel_loop3A_474 = tpu.dynamic_gather %get3A_13[%parallel_loop3A_473] in [0] : vector<16xf32>, vector<16xi32> -> vector<16xf32>
      %parallel_loop3A_475 = arith.constant 768 : i32
      %parallel_loop3A_476 = arith.addi %parallel_loop3A_380, %parallel_loop3A_475 : i32
      %parallel_loop3A_477 = arith.index_cast %parallel_loop3A_476 : i32 to index
      %parallel_loop3A_478 = tpu.vector_load %arg7[%parallel_loop3A_477] {strides = array<i32>} : memref<32768xf32, #tpu.memory_space<vmem>>, vector<16xf32>,
      tpu.vector_store %arg7[%parallel_loop3A_477], %parallel_loop3A_474 {strides = array<i32>} : memref<32768xf32, #tpu.memory_space<vmem>>, vector<16xf32>,
      %parallel_loop3A_479 = arith.constant 0 : i32
      %parallel_loop3A_480 = vector.broadcast %parallel_loop3A_479 : i32 to vector<16xi32>
      %parallel_loop3A_481 = arith.cmpi slt, %parallel_loop3A_364, %parallel_loop3A_480 : vector<16xi32>
      %parallel_loop3A_482 = arith.constant 16 : i32
      %parallel_loop3A_483 = vector.broadcast %parallel_loop3A_482 : i32 to vector<16xi32>
      %parallel_loop3A_484 = arith.addi %parallel_loop3A_364, %parallel_loop3A_483 : vector<16xi32>
      %parallel_loop3A_485 = arith.select %parallel_loop3A_481, %parallel_loop3A_484, %parallel_loop3A_364 : vector<16xi1>, vector<16xi32>
      %parallel_loop3A_486 = vector.shape_cast %parallel_loop3A_485 : vector<16xi32> to vector<16x1xi32>
      %parallel_loop3A_487 = vector.shape_cast %parallel_loop3A_486 : vector<16x1xi32> to vector<16xi32>
      %parallel_loop3A_488 = tpu.dynamic_gather %get3A_15[%parallel_loop3A_487] in [0] : vector<16xf32>, vector<16xi32> -> vector<16xf32>
      %parallel_loop3A_489 = arith.constant 896 : i32
      %parallel_loop3A_490 = arith.addi %parallel_loop3A_380, %parallel_loop3A_489 : i32
      %parallel_loop3A_491 = arith.index_cast %parallel_loop3A_490 : i32 to index
      %parallel_loop3A_492 = tpu.vector_load %arg7[%parallel_loop3A_491] {strides = array<i32>} : memref<32768xf32, #tpu.memory_space<vmem>>, vector<16xf32>,
      tpu.vector_store %arg7[%parallel_loop3A_491], %parallel_loop3A_488 {strides = array<i32>} : memref<32768xf32, #tpu.memory_space<vmem>>, vector<16xf32>,
    } {sc.loop_unroll_factor = 8 : i64, sc.parallel_access}
    %mul3A_120 = arith.constant 4096 : i32
    %mul3A_121 = arith.muli %add3A, %mul3A_120 : i32
    %add3A_122 = arith.constant 25165824 : i32
    %add3A_123 = arith.addi %add3A_122, %mul3A_121 : i32
    %mul3A_124 = arith.constant 4096 : i32
    %mul3A_125 = arith.muli %add3A, %mul3A_124 : i32
    %add3A_126 = arith.constant 25296896 : i32
    %add3A_127 = arith.addi %add3A_126, %mul3A_125 : i32
    %mul3A_128 = arith.constant 4096 : i32
    %mul3A_129 = arith.muli %add3A, %mul3A_128 : i32
    %add3A_130 = arith.constant 25427968 : i32
    %add3A_131 = arith.addi %add3A_130, %mul3A_129 : i32
    %mul3A_132 = arith.constant 4096 : i32
    %mul3A_133 = arith.muli %add3A, %mul3A_132 : i32
    %add3A_134 = arith.constant 25559040 : i32
    %add3A_135 = arith.addi %add3A_134, %mul3A_133 : i32
    %mul3A_136 = arith.constant 4096 : i32
    %mul3A_137 = arith.muli %add3A, %mul3A_136 : i32
    %add3A_138 = arith.constant 25690112 : i32
    %add3A_139 = arith.addi %add3A_138, %mul3A_137 : i32
    %mul3A_140 = arith.constant 4096 : i32
    %mul3A_141 = arith.muli %add3A, %mul3A_140 : i32
    %add3A_142 = arith.constant 25821184 : i32
    %add3A_143 = arith.addi %add3A_142, %mul3A_141 : i32
    %mul3A_144 = arith.constant 4096 : i32
    %mul3A_145 = arith.muli %add3A, %mul3A_144 : i32
    %add3A_146 = arith.constant 25952256 : i32
    %add3A_147 = arith.addi %add3A_146, %mul3A_145 : i32
    %mul3A_148 = arith.constant 4096 : i32
    %mul3A_149 = arith.muli %add3A, %mul3A_148 : i32
    %add3A_150 = arith.constant 26083328 : i32
    %add3A_151 = arith.addi %add3A_150, %mul3A_149 : i32
    %dma_start3A_152 = arith.constant 0 : i32
    %dma_start3A_153 = tpu.memref_slice %arg7[%dma_start3A_152] : memref<32768xf32, #tpu.memory_space<vmem>> -> memref<4096xf32, #tpu.memory_space<vmem>>
    %dma_start3A_154 = tpu.memref_slice %arg4[%add3A_123] : memref<26214400xf32, #tpu.memory_space<hbm>> -> memref<4096xf32, #tpu.memory_space<hbm>>
    %dma_start3A_155 = tpu.memref_slice %arg4[%add3A_123] : memref<26214400xf32, #tpu.memory_space<hbm>> -> memref<4096xf32, #tpu.memory_space<hbm>>
    %dma_start3A_156 = arith.constant 0 : i32
    %dma_start3A_157 = tpu.memref_slice %arg7[%dma_start3A_156] : memref<32768xf32, #tpu.memory_space<vmem>> -> memref<4096xf32, #tpu.memory_space<vmem>>
    tpu.enqueue_dma source(%dma_start3A_157 : memref<4096xf32, #tpu.memory_space<vmem>>) target(%dma_start3A_155 : memref<4096xf32, #tpu.memory_space<hbm>>) target_semaphore(%arg12 : memref<!tpu.dma_semaphore, #tpu.memory_space<semaphore_mem>>)
    %dma_start3A_158 = arith.constant 4096 : i32
    %dma_start3A_159 = tpu.memref_slice %arg7[%dma_start3A_158] : memref<32768xf32, #tpu.memory_space<vmem>> -> memref<4096xf32, #tpu.memory_space<vmem>>
    %dma_start3A_160 = tpu.memref_slice %arg4[%add3A_127] : memref<26214400xf32, #tpu.memory_space<hbm>> -> memref<4096xf32, #tpu.memory_space<hbm>>
    %dma_start3A_161 = tpu.memref_slice %arg4[%add3A_127] : memref<26214400xf32, #tpu.memory_space<hbm>> -> memref<4096xf32, #tpu.memory_space<hbm>>
    %dma_start3A_162 = arith.constant 4096 : i32
    %dma_start3A_163 = tpu.memref_slice %arg7[%dma_start3A_162] : memref<32768xf32, #tpu.memory_space<vmem>> -> memref<4096xf32, #tpu.memory_space<vmem>>
    tpu.enqueue_dma source(%dma_start3A_163 : memref<4096xf32, #tpu.memory_space<vmem>>) target(%dma_start3A_161 : memref<4096xf32, #tpu.memory_space<hbm>>) target_semaphore(%arg12 : memref<!tpu.dma_semaphore, #tpu.memory_space<semaphore_mem>>)
    %dma_start3A_164 = arith.constant 8192 : i32
    %dma_start3A_165 = tpu.memref_slice %arg7[%dma_start3A_164] : memref<32768xf32, #tpu.memory_space<vmem>> -> memref<4096xf32, #tpu.memory_space<vmem>>
    %dma_start3A_166 = tpu.memref_slice %arg4[%add3A_131] : memref<26214400xf32, #tpu.memory_space<hbm>> -> memref<4096xf32, #tpu.memory_space<hbm>>
    %dma_start3A_167 = tpu.memref_slice %arg4[%add3A_131] : memref<26214400xf32, #tpu.memory_space<hbm>> -> memref<4096xf32, #tpu.memory_space<hbm>>
    %dma_start3A_168 = arith.constant 8192 : i32
    %dma_start3A_169 = tpu.memref_slice %arg7[%dma_start3A_168] : memref<32768xf32, #tpu.memory_space<vmem>> -> memref<4096xf32, #tpu.memory_space<vmem>>
    tpu.enqueue_dma source(%dma_start3A_169 : memref<4096xf32, #tpu.memory_space<vmem>>) target(%dma_start3A_167 : memref<4096xf32, #tpu.memory_space<hbm>>) target_semaphore(%arg12 : memref<!tpu.dma_semaphore, #tpu.memory_space<semaphore_mem>>)
    %dma_start3A_170 = arith.constant 12288 : i32
    %dma_start3A_171 = tpu.memref_slice %arg7[%dma_start3A_170] : memref<32768xf32, #tpu.memory_space<vmem>> -> memref<4096xf32, #tpu.memory_space<vmem>>
    %dma_start3A_172 = tpu.memref_slice %arg4[%add3A_135] : memref<26214400xf32, #tpu.memory_space<hbm>> -> memref<4096xf32, #tpu.memory_space<hbm>>
    %dma_start3A_173 = tpu.memref_slice %arg4[%add3A_135] : memref<26214400xf32, #tpu.memory_space<hbm>> -> memref<4096xf32, #tpu.memory_space<hbm>>
    %dma_start3A_174 = arith.constant 12288 : i32
    %dma_start3A_175 = tpu.memref_slice %arg7[%dma_start3A_174] : memref<32768xf32, #tpu.memory_space<vmem>> -> memref<4096xf32, #tpu.memory_space<vmem>>
    tpu.enqueue_dma source(%dma_start3A_175 : memref<4096xf32, #tpu.memory_space<vmem>>) target(%dma_start3A_173 : memref<4096xf32, #tpu.memory_space<hbm>>) target_semaphore(%arg12 : memref<!tpu.dma_semaphore, #tpu.memory_space<semaphore_mem>>)
    %dma_start3A_176 = arith.constant 16384 : i32
    %dma_start3A_177 = tpu.memref_slice %arg7[%dma_start3A_176] : memref<32768xf32, #tpu.memory_space<vmem>> -> memref<4096xf32, #tpu.memory_space<vmem>>
    %dma_start3A_178 = tpu.memref_slice %arg4[%add3A_139] : memref<26214400xf32, #tpu.memory_space<hbm>> -> memref<4096xf32, #tpu.memory_space<hbm>>
    %dma_start3A_179 = tpu.memref_slice %arg4[%add3A_139] : memref<26214400xf32, #tpu.memory_space<hbm>> -> memref<4096xf32, #tpu.memory_space<hbm>>
    %dma_start3A_180 = arith.constant 16384 : i32
    %dma_start3A_181 = tpu.memref_slice %arg7[%dma_start3A_180] : memref<32768xf32, #tpu.memory_space<vmem>> -> memref<4096xf32, #tpu.memory_space<vmem>>
    tpu.enqueue_dma source(%dma_start3A_181 : memref<4096xf32, #tpu.memory_space<vmem>>) target(%dma_start3A_179 : memref<4096xf32, #tpu.memory_space<hbm>>) target_semaphore(%arg12 : memref<!tpu.dma_semaphore, #tpu.memory_space<semaphore_mem>>)
    %dma_start3A_182 = arith.constant 20480 : i32
    %dma_start3A_183 = tpu.memref_slice %arg7[%dma_start3A_182] : memref<32768xf32, #tpu.memory_space<vmem>> -> memref<4096xf32, #tpu.memory_space<vmem>>
    %dma_start3A_184 = tpu.memref_slice %arg4[%add3A_143] : memref<26214400xf32, #tpu.memory_space<hbm>> -> memref<4096xf32, #tpu.memory_space<hbm>>
    %dma_start3A_185 = tpu.memref_slice %arg4[%add3A_143] : memref<26214400xf32, #tpu.memory_space<hbm>> -> memref<4096xf32, #tpu.memory_space<hbm>>
    %dma_start3A_186 = arith.constant 20480 : i32
    %dma_start3A_187 = tpu.memref_slice %arg7[%dma_start3A_186] : memref<32768xf32, #tpu.memory_space<vmem>> -> memref<4096xf32, #tpu.memory_space<vmem>>
    tpu.enqueue_dma source(%dma_start3A_187 : memref<4096xf32, #tpu.memory_space<vmem>>) target(%dma_start3A_185 : memref<4096xf32, #tpu.memory_space<hbm>>) target_semaphore(%arg12 : memref<!tpu.dma_semaphore, #tpu.memory_space<semaphore_mem>>)
    %dma_start3A_188 = arith.constant 24576 : i32
    %dma_start3A_189 = tpu.memref_slice %arg7[%dma_start3A_188] : memref<32768xf32, #tpu.memory_space<vmem>> -> memref<4096xf32, #tpu.memory_space<vmem>>
    %dma_start3A_190 = tpu.memref_slice %arg4[%add3A_147] : memref<26214400xf32, #tpu.memory_space<hbm>> -> memref<4096xf32, #tpu.memory_space<hbm>>
    %dma_start3A_191 = tpu.memref_slice %arg4[%add3A_147] : memref<26214400xf32, #tpu.memory_space<hbm>> -> memref<4096xf32, #tpu.memory_space<hbm>>
    %dma_start3A_192 = arith.constant 24576 : i32
    %dma_start3A_193 = tpu.memref_slice %arg7[%dma_start3A_192] : memref<32768xf32, #tpu.memory_space<vmem>> -> memref<4096xf32, #tpu.memory_space<vmem>>
    tpu.enqueue_dma source(%dma_start3A_193 : memref<4096xf32, #tpu.memory_space<vmem>>) target(%dma_start3A_191 : memref<4096xf32, #tpu.memory_space<hbm>>) target_semaphore(%arg12 : memref<!tpu.dma_semaphore, #tpu.memory_space<semaphore_mem>>)
    %dma_start3A_194 = arith.constant 28672 : i32
    %dma_start3A_195 = tpu.memref_slice %arg7[%dma_start3A_194] : memref<32768xf32, #tpu.memory_space<vmem>> -> memref<4096xf32, #tpu.memory_space<vmem>>
    %dma_start3A_196 = tpu.memref_slice %arg4[%add3A_151] : memref<26214400xf32, #tpu.memory_space<hbm>> -> memref<4096xf32, #tpu.memory_space<hbm>>
    %dma_start3A_197 = tpu.memref_slice %arg4[%add3A_151] : memref<26214400xf32, #tpu.memory_space<hbm>> -> memref<4096xf32, #tpu.memory_space<hbm>>
    %dma_start3A_198 = arith.constant 28672 : i32
    %dma_start3A_199 = tpu.memref_slice %arg7[%dma_start3A_198] : memref<32768xf32, #tpu.memory_space<vmem>> -> memref<4096xf32, #tpu.memory_space<vmem>>
    tpu.enqueue_dma source(%dma_start3A_199 : memref<4096xf32, #tpu.memory_space<vmem>>) target(%dma_start3A_197 : memref<4096xf32, #tpu.memory_space<hbm>>) target_semaphore(%arg12 : memref<!tpu.dma_semaphore, #tpu.memory_space<semaphore_mem>>)
    %mul3A_200 = arith.constant 4096 : i32
    %mul3A_201 = arith.muli %add3A, %mul3A_200 : i32
    %add3A_202 = arith.constant 24117248 : i32
    %add3A_203 = arith.addi %add3A_202, %mul3A_201 : i32
    %mul3A_204 = arith.constant 4096 : i32
    %mul3A_205 = arith.muli %add3A, %mul3A_204 : i32
    %add3A_206 = arith.constant 24248320 : i32
    %add3A_207 = arith.addi %add3A_206, %mul3A_205 : i32
    %mul3A_208 = arith.constant 4096 : i32
    %mul3A_209 = arith.muli %add3A, %mul3A_208 : i32
    %add3A_210 = arith.constant 24379392 : i32
    %add3A_211 = arith.addi %add3A_210, %mul3A_209 : i32
    %mul3A_212 = arith.constant 4096 : i32
    %mul3A_213 = arith.muli %add3A, %mul3A_212 : i32
    %add3A_214 = arith.constant 24510464 : i32
    %add3A_215 = arith.addi %add3A_214, %mul3A_213 : i32
    %mul3A_216 = arith.constant 4096 : i32
    %mul3A_217 = arith.muli %add3A, %mul3A_216 : i32
    %add3A_218 = arith.constant 24641536 : i32
    %add3A_219 = arith.addi %add3A_218, %mul3A_217 : i32
    %mul3A_220 = arith.constant 4096 : i32
    %mul3A_221 = arith.muli %add3A, %mul3A_220 : i32
    %add3A_222 = arith.constant 24772608 : i32
    %add3A_223 = arith.addi %add3A_222, %mul3A_221 : i32
    %mul3A_224 = arith.constant 4096 : i32
    %mul3A_225 = arith.muli %add3A, %mul3A_224 : i32
    %add3A_226 = arith.constant 24903680 : i32
    %add3A_227 = arith.addi %add3A_226, %mul3A_225 : i32
    %mul3A_228 = arith.constant 4096 : i32
    %mul3A_229 = arith.muli %add3A, %mul3A_228 : i32
    %add3A_230 = arith.constant 25034752 : i32
    %add3A_231 = arith.addi %add3A_230, %mul3A_229 : i32
    %dma_wait3A_232 = arith.constant 0 : i32
    %dma_wait3A_233 = tpu.memref_slice %arg8[%dma_wait3A_232] : memref<32768xf32, #tpu.memory_space<vmem>> -> memref<4096xf32, #tpu.memory_space<vmem>>
    %dma_wait3A_234 = tpu.memref_slice %arg4[%add3A_203] : memref<26214400xf32, #tpu.memory_space<hbm>> -> memref<4096xf32, #tpu.memory_space<hbm>>
    %dma_wait3A_235 = tpu.memref_slice %arg4[%add3A_203] : memref<26214400xf32, #tpu.memory_space<hbm>> -> memref<4096xf32, #tpu.memory_space<hbm>>
    %dma_wait3A_236 = arith.constant 0 : i32
    %dma_wait3A_237 = tpu.memref_slice %arg8[%dma_wait3A_236] : memref<32768xf32, #tpu.memory_space<vmem>> -> memref<4096xf32, #tpu.memory_space<vmem>>
    tpu.wait_dma2 semaphore(%arg13 : memref<!tpu.dma_semaphore, #tpu.memory_space<semaphore_mem>>) src(%dma_wait3A_237 : memref<4096xf32, #tpu.memory_space<vmem>>) dst(%dma_wait3A_235 : memref<4096xf32, #tpu.memory_space<hbm>>)
    %dma_wait3A_238 = arith.constant 4096 : i32
    %dma_wait3A_239 = tpu.memref_slice %arg8[%dma_wait3A_238] : memref<32768xf32, #tpu.memory_space<vmem>> -> memref<4096xf32, #tpu.memory_space<vmem>>
    %dma_wait3A_240 = tpu.memref_slice %arg4[%add3A_207] : memref<26214400xf32, #tpu.memory_space<hbm>> -> memref<4096xf32, #tpu.memory_space<hbm>>
    %dma_wait3A_241 = tpu.memref_slice %arg4[%add3A_207] : memref<26214400xf32, #tpu.memory_space<hbm>> -> memref<4096xf32, #tpu.memory_space<hbm>>
    %dma_wait3A_242 = arith.constant 4096 : i32
    %dma_wait3A_243 = tpu.memref_slice %arg8[%dma_wait3A_242] : memref<32768xf32, #tpu.memory_space<vmem>> -> memref<4096xf32, #tpu.memory_space<vmem>>
    tpu.wait_dma2 semaphore(%arg13 : memref<!tpu.dma_semaphore, #tpu.memory_space<semaphore_mem>>) src(%dma_wait3A_243 : memref<4096xf32, #tpu.memory_space<vmem>>) dst(%dma_wait3A_241 : memref<4096xf32, #tpu.memory_space<hbm>>)
    %dma_wait3A_244 = arith.constant 8192 : i32
    %dma_wait3A_245 = tpu.memref_slice %arg8[%dma_wait3A_244] : memref<32768xf32, #tpu.memory_space<vmem>> -> memref<4096xf32, #tpu.memory_space<vmem>>
    %dma_wait3A_246 = tpu.memref_slice %arg4[%add3A_211] : memref<26214400xf32, #tpu.memory_space<hbm>> -> memref<4096xf32, #tpu.memory_space<hbm>>
    %dma_wait3A_247 = tpu.memref_slice %arg4[%add3A_211] : memref<26214400xf32, #tpu.memory_space<hbm>> -> memref<4096xf32, #tpu.memory_space<hbm>>
    %dma_wait3A_248 = arith.constant 8192 : i32
    %dma_wait3A_249 = tpu.memref_slice %arg8[%dma_wait3A_248] : memref<32768xf32, #tpu.memory_space<vmem>> -> memref<4096xf32, #tpu.memory_space<vmem>>
    tpu.wait_dma2 semaphore(%arg13 : memref<!tpu.dma_semaphore, #tpu.memory_space<semaphore_mem>>) src(%dma_wait3A_249 : memref<4096xf32, #tpu.memory_space<vmem>>) dst(%dma_wait3A_247 : memref<4096xf32, #tpu.memory_space<hbm>>)
    %dma_wait3A_250 = arith.constant 12288 : i32
    %dma_wait3A_251 = tpu.memref_slice %arg8[%dma_wait3A_250] : memref<32768xf32, #tpu.memory_space<vmem>> -> memref<4096xf32, #tpu.memory_space<vmem>>
    %dma_wait3A_252 = tpu.memref_slice %arg4[%add3A_215] : memref<26214400xf32, #tpu.memory_space<hbm>> -> memref<4096xf32, #tpu.memory_space<hbm>>
    %dma_wait3A_253 = tpu.memref_slice %arg4[%add3A_215] : memref<26214400xf32, #tpu.memory_space<hbm>> -> memref<4096xf32, #tpu.memory_space<hbm>>
    %dma_wait3A_254 = arith.constant 12288 : i32
    %dma_wait3A_255 = tpu.memref_slice %arg8[%dma_wait3A_254] : memref<32768xf32, #tpu.memory_space<vmem>> -> memref<4096xf32, #tpu.memory_space<vmem>>
    tpu.wait_dma2 semaphore(%arg13 : memref<!tpu.dma_semaphore, #tpu.memory_space<semaphore_mem>>) src(%dma_wait3A_255 : memref<4096xf32, #tpu.memory_space<vmem>>) dst(%dma_wait3A_253 : memref<4096xf32, #tpu.memory_space<hbm>>)
    %dma_wait3A_256 = arith.constant 16384 : i32
    %dma_wait3A_257 = tpu.memref_slice %arg8[%dma_wait3A_256] : memref<32768xf32, #tpu.memory_space<vmem>> -> memref<4096xf32, #tpu.memory_space<vmem>>
    %dma_wait3A_258 = tpu.memref_slice %arg4[%add3A_219] : memref<26214400xf32, #tpu.memory_space<hbm>> -> memref<4096xf32, #tpu.memory_space<hbm>>
    %dma_wait3A_259 = tpu.memref_slice %arg4[%add3A_219] : memref<26214400xf32, #tpu.memory_space<hbm>> -> memref<4096xf32, #tpu.memory_space<hbm>>
    %dma_wait3A_260 = arith.constant 16384 : i32
    %dma_wait3A_261 = tpu.memref_slice %arg8[%dma_wait3A_260] : memref<32768xf32, #tpu.memory_space<vmem>> -> memref<4096xf32, #tpu.memory_space<vmem>>
    tpu.wait_dma2 semaphore(%arg13 : memref<!tpu.dma_semaphore, #tpu.memory_space<semaphore_mem>>) src(%dma_wait3A_261 : memref<4096xf32, #tpu.memory_space<vmem>>) dst(%dma_wait3A_259 : memref<4096xf32, #tpu.memory_space<hbm>>)
    %dma_wait3A_262 = arith.constant 20480 : i32
    %dma_wait3A_263 = tpu.memref_slice %arg8[%dma_wait3A_262] : memref<32768xf32, #tpu.memory_space<vmem>> -> memref<4096xf32, #tpu.memory_space<vmem>>
    %dma_wait3A_264 = tpu.memref_slice %arg4[%add3A_223] : memref<26214400xf32, #tpu.memory_space<hbm>> -> memref<4096xf32, #tpu.memory_space<hbm>>
    %dma_wait3A_265 = tpu.memref_slice %arg4[%add3A_223] : memref<26214400xf32, #tpu.memory_space<hbm>> -> memref<4096xf32, #tpu.memory_space<hbm>>
    %dma_wait3A_266 = arith.constant 20480 : i32
    %dma_wait3A_267 = tpu.memref_slice %arg8[%dma_wait3A_266] : memref<32768xf32, #tpu.memory_space<vmem>> -> memref<4096xf32, #tpu.memory_space<vmem>>
    tpu.wait_dma2 semaphore(%arg13 : memref<!tpu.dma_semaphore, #tpu.memory_space<semaphore_mem>>) src(%dma_wait3A_267 : memref<4096xf32, #tpu.memory_space<vmem>>) dst(%dma_wait3A_265 : memref<4096xf32, #tpu.memory_space<hbm>>)
    %dma_wait3A_268 = arith.constant 24576 : i32
    %dma_wait3A_269 = tpu.memref_slice %arg8[%dma_wait3A_268] : memref<32768xf32, #tpu.memory_space<vmem>> -> memref<4096xf32, #tpu.memory_space<vmem>>
    %dma_wait3A_270 = tpu.memref_slice %arg4[%add3A_227] : memref<26214400xf32, #tpu.memory_space<hbm>> -> memref<4096xf32, #tpu.memory_space<hbm>>
    %dma_wait3A_271 = tpu.memref_slice %arg4[%add3A_227] : memref<26214400xf32, #tpu.memory_space<hbm>> -> memref<4096xf32, #tpu.memory_space<hbm>>
    %dma_wait3A_272 = arith.constant 24576 : i32
    %dma_wait3A_273 = tpu.memref_slice %arg8[%dma_wait3A_272] : memref<32768xf32, #tpu.memory_space<vmem>> -> memref<4096xf32, #tpu.memory_space<vmem>>
    tpu.wait_dma2 semaphore(%arg13 : memref<!tpu.dma_semaphore, #tpu.memory_space<semaphore_mem>>) src(%dma_wait3A_273 : memref<4096xf32, #tpu.memory_space<vmem>>) dst(%dma_wait3A_271 : memref<4096xf32, #tpu.memory_space<hbm>>)
    %dma_wait3A_274 = arith.constant 28672 : i32
    %dma_wait3A_275 = tpu.memref_slice %arg8[%dma_wait3A_274] : memref<32768xf32, #tpu.memory_space<vmem>> -> memref<4096xf32, #tpu.memory_space<vmem>>
    %dma_wait3A_276 = tpu.memref_slice %arg4[%add3A_231] : memref<26214400xf32, #tpu.memory_space<hbm>> -> memref<4096xf32, #tpu.memory_space<hbm>>
    %dma_wait3A_277 = tpu.memref_slice %arg4[%add3A_231] : memref<26214400xf32, #tpu.memory_space<hbm>> -> memref<4096xf32, #tpu.memory_space<hbm>>
    %dma_wait3A_278 = arith.constant 28672 : i32
    %dma_wait3A_279 = tpu.memref_slice %arg8[%dma_wait3A_278] : memref<32768xf32, #tpu.memory_space<vmem>> -> memref<4096xf32, #tpu.memory_space<vmem>>
    tpu.wait_dma2 semaphore(%arg13 : memref<!tpu.dma_semaphore, #tpu.memory_space<semaphore_mem>>) src(%dma_wait3A_279 : memref<4096xf32, #tpu.memory_space<vmem>>) dst(%dma_wait3A_277 : memref<4096xf32, #tpu.memory_space<hbm>>)
    %mul3A_280 = arith.constant 4096 : i32
    %mul3A_281 = arith.muli %add3A, %mul3A_280 : i32
    %add3A_282 = arith.constant 25165824 : i32
    %add3A_283 = arith.addi %add3A_282, %mul3A_281 : i32
    %mul3A_284 = arith.constant 4096 : i32
    %mul3A_285 = arith.muli %add3A, %mul3A_284 : i32
    %add3A_286 = arith.constant 25296896 : i32
    %add3A_287 = arith.addi %add3A_286, %mul3A_285 : i32
    %mul3A_288 = arith.constant 4096 : i32
    %mul3A_289 = arith.muli %add3A, %mul3A_288 : i32
    %add3A_290 = arith.constant 25427968 : i32
    %add3A_291 = arith.addi %add3A_290, %mul3A_289 : i32
    %mul3A_292 = arith.constant 4096 : i32
    %mul3A_293 = arith.muli %add3A, %mul3A_292 : i32
    %add3A_294 = arith.constant 25559040 : i32
    %add3A_295 = arith.addi %add3A_294, %mul3A_293 : i32
    %mul3A_296 = arith.constant 4096 : i32
    %mul3A_297 = arith.muli %add3A, %mul3A_296 : i32
    %add3A_298 = arith.constant 25690112 : i32
    %add3A_299 = arith.addi %add3A_298, %mul3A_297 : i32
    %mul3A_300 = arith.constant 4096 : i32
    %mul3A_301 = arith.muli %add3A, %mul3A_300 : i32
    %add3A_302 = arith.constant 25821184 : i32
    %add3A_303 = arith.addi %add3A_302, %mul3A_301 : i32
    %mul3A_304 = arith.constant 4096 : i32
    %mul3A_305 = arith.muli %add3A, %mul3A_304 : i32
    %add3A_306 = arith.constant 25952256 : i32
    %add3A_307 = arith.addi %add3A_306, %mul3A_305 : i32
    %mul3A_308 = arith.constant 4096 : i32
    %mul3A_309 = arith.muli %add3A, %mul3A_308 : i32
    %add3A_310 = arith.constant 26083328 : i32
    %add3A_311 = arith.addi %add3A_310, %mul3A_309 : i32
    %dma_wait3A_312 = arith.constant 0 : i32
    %dma_wait3A_313 = tpu.memref_slice %arg7[%dma_wait3A_312] : memref<32768xf32, #tpu.memory_space<vmem>> -> memref<4096xf32, #tpu.memory_space<vmem>>
    %dma_wait3A_314 = tpu.memref_slice %arg4[%add3A_283] : memref<26214400xf32, #tpu.memory_space<hbm>> -> memref<4096xf32, #tpu.memory_space<hbm>>
    %dma_wait3A_315 = tpu.memref_slice %arg4[%add3A_283] : memref<26214400xf32, #tpu.memory_space<hbm>> -> memref<4096xf32, #tpu.memory_space<hbm>>
    %dma_wait3A_316 = arith.constant 0 : i32
    %dma_wait3A_317 = tpu.memref_slice %arg7[%dma_wait3A_316] : memref<32768xf32, #tpu.memory_space<vmem>> -> memref<4096xf32, #tpu.memory_space<vmem>>
    tpu.wait_dma2 semaphore(%arg12 : memref<!tpu.dma_semaphore, #tpu.memory_space<semaphore_mem>>) src(%dma_wait3A_317 : memref<4096xf32, #tpu.memory_space<vmem>>) dst(%dma_wait3A_315 : memref<4096xf32, #tpu.memory_space<hbm>>)
    %dma_wait3A_318 = arith.constant 4096 : i32
    %dma_wait3A_319 = tpu.memref_slice %arg7[%dma_wait3A_318] : memref<32768xf32, #tpu.memory_space<vmem>> -> memref<4096xf32, #tpu.memory_space<vmem>>
    %dma_wait3A_320 = tpu.memref_slice %arg4[%add3A_287] : memref<26214400xf32, #tpu.memory_space<hbm>> -> memref<4096xf32, #tpu.memory_space<hbm>>
    %dma_wait3A_321 = tpu.memref_slice %arg4[%add3A_287] : memref<26214400xf32, #tpu.memory_space<hbm>> -> memref<4096xf32, #tpu.memory_space<hbm>>
    %dma_wait3A_322 = arith.constant 4096 : i32
    %dma_wait3A_323 = tpu.memref_slice %arg7[%dma_wait3A_322] : memref<32768xf32, #tpu.memory_space<vmem>> -> memref<4096xf32, #tpu.memory_space<vmem>>
    tpu.wait_dma2 semaphore(%arg12 : memref<!tpu.dma_semaphore, #tpu.memory_space<semaphore_mem>>) src(%dma_wait3A_323 : memref<4096xf32, #tpu.memory_space<vmem>>) dst(%dma_wait3A_321 : memref<4096xf32, #tpu.memory_space<hbm>>)
    %dma_wait3A_324 = arith.constant 8192 : i32
    %dma_wait3A_325 = tpu.memref_slice %arg7[%dma_wait3A_324] : memref<32768xf32, #tpu.memory_space<vmem>> -> memref<4096xf32, #tpu.memory_space<vmem>>
    %dma_wait3A_326 = tpu.memref_slice %arg4[%add3A_291] : memref<26214400xf32, #tpu.memory_space<hbm>> -> memref<4096xf32, #tpu.memory_space<hbm>>
    %dma_wait3A_327 = tpu.memref_slice %arg4[%add3A_291] : memref<26214400xf32, #tpu.memory_space<hbm>> -> memref<4096xf32, #tpu.memory_space<hbm>>
    %dma_wait3A_328 = arith.constant 8192 : i32
    %dma_wait3A_329 = tpu.memref_slice %arg7[%dma_wait3A_328] : memref<32768xf32, #tpu.memory_space<vmem>> -> memref<4096xf32, #tpu.memory_space<vmem>>
    tpu.wait_dma2 semaphore(%arg12 : memref<!tpu.dma_semaphore, #tpu.memory_space<semaphore_mem>>) src(%dma_wait3A_329 : memref<4096xf32, #tpu.memory_space<vmem>>) dst(%dma_wait3A_327 : memref<4096xf32, #tpu.memory_space<hbm>>)
    %dma_wait3A_330 = arith.constant 12288 : i32
    %dma_wait3A_331 = tpu.memref_slice %arg7[%dma_wait3A_330] : memref<32768xf32, #tpu.memory_space<vmem>> -> memref<4096xf32, #tpu.memory_space<vmem>>
    %dma_wait3A_332 = tpu.memref_slice %arg4[%add3A_295] : memref<26214400xf32, #tpu.memory_space<hbm>> -> memref<4096xf32, #tpu.memory_space<hbm>>
    %dma_wait3A_333 = tpu.memref_slice %arg4[%add3A_295] : memref<26214400xf32, #tpu.memory_space<hbm>> -> memref<4096xf32, #tpu.memory_space<hbm>>
    %dma_wait3A_334 = arith.constant 12288 : i32
    %dma_wait3A_335 = tpu.memref_slice %arg7[%dma_wait3A_334] : memref<32768xf32, #tpu.memory_space<vmem>> -> memref<4096xf32, #tpu.memory_space<vmem>>
    tpu.wait_dma2 semaphore(%arg12 : memref<!tpu.dma_semaphore, #tpu.memory_space<semaphore_mem>>) src(%dma_wait3A_335 : memref<4096xf32, #tpu.memory_space<vmem>>) dst(%dma_wait3A_333 : memref<4096xf32, #tpu.memory_space<hbm>>)
    %dma_wait3A_336 = arith.constant 16384 : i32
    %dma_wait3A_337 = tpu.memref_slice %arg7[%dma_wait3A_336] : memref<32768xf32, #tpu.memory_space<vmem>> -> memref<4096xf32, #tpu.memory_space<vmem>>
    %dma_wait3A_338 = tpu.memref_slice %arg4[%add3A_299] : memref<26214400xf32, #tpu.memory_space<hbm>> -> memref<4096xf32, #tpu.memory_space<hbm>>
    %dma_wait3A_339 = tpu.memref_slice %arg4[%add3A_299] : memref<26214400xf32, #tpu.memory_space<hbm>> -> memref<4096xf32, #tpu.memory_space<hbm>>
    %dma_wait3A_340 = arith.constant 16384 : i32
    %dma_wait3A_341 = tpu.memref_slice %arg7[%dma_wait3A_340] : memref<32768xf32, #tpu.memory_space<vmem>> -> memref<4096xf32, #tpu.memory_space<vmem>>
    tpu.wait_dma2 semaphore(%arg12 : memref<!tpu.dma_semaphore, #tpu.memory_space<semaphore_mem>>) src(%dma_wait3A_341 : memref<4096xf32, #tpu.memory_space<vmem>>) dst(%dma_wait3A_339 : memref<4096xf32, #tpu.memory_space<hbm>>)
    %dma_wait3A_342 = arith.constant 20480 : i32
    %dma_wait3A_343 = tpu.memref_slice %arg7[%dma_wait3A_342] : memref<32768xf32, #tpu.memory_space<vmem>> -> memref<4096xf32, #tpu.memory_space<vmem>>
    %dma_wait3A_344 = tpu.memref_slice %arg4[%add3A_303] : memref<26214400xf32, #tpu.memory_space<hbm>> -> memref<4096xf32, #tpu.memory_space<hbm>>
    %dma_wait3A_345 = tpu.memref_slice %arg4[%add3A_303] : memref<26214400xf32, #tpu.memory_space<hbm>> -> memref<4096xf32, #tpu.memory_space<hbm>>
    %dma_wait3A_346 = arith.constant 20480 : i32
    %dma_wait3A_347 = tpu.memref_slice %arg7[%dma_wait3A_346] : memref<32768xf32, #tpu.memory_space<vmem>> -> memref<4096xf32, #tpu.memory_space<vmem>>
    tpu.wait_dma2 semaphore(%arg12 : memref<!tpu.dma_semaphore, #tpu.memory_space<semaphore_mem>>) src(%dma_wait3A_347 : memref<4096xf32, #tpu.memory_space<vmem>>) dst(%dma_wait3A_345 : memref<4096xf32, #tpu.memory_space<hbm>>)
    %dma_wait3A_348 = arith.constant 24576 : i32
    %dma_wait3A_349 = tpu.memref_slice %arg7[%dma_wait3A_348] : memref<32768xf32, #tpu.memory_space<vmem>> -> memref<4096xf32, #tpu.memory_space<vmem>>
    %dma_wait3A_350 = tpu.memref_slice %arg4[%add3A_307] : memref<26214400xf32, #tpu.memory_space<hbm>> -> memref<4096xf32, #tpu.memory_space<hbm>>
    %dma_wait3A_351 = tpu.memref_slice %arg4[%add3A_307] : memref<26214400xf32, #tpu.memory_space<hbm>> -> memref<4096xf32, #tpu.memory_space<hbm>>
    %dma_wait3A_352 = arith.constant 24576 : i32
    %dma_wait3A_353 = tpu.memref_slice %arg7[%dma_wait3A_352] : memref<32768xf32, #tpu.memory_space<vmem>> -> memref<4096xf32, #tpu.memory_space<vmem>>
    tpu.wait_dma2 semaphore(%arg12 : memref<!tpu.dma_semaphore, #tpu.memory_space<semaphore_mem>>) src(%dma_wait3A_353 : memref<4096xf32, #tpu.memory_space<vmem>>) dst(%dma_wait3A_351 : memref<4096xf32, #tpu.memory_space<hbm>>)
    %dma_wait3A_354 = arith.constant 28672 : i32
    %dma_wait3A_355 = tpu.memref_slice %arg7[%dma_wait3A_354] : memref<32768xf32, #tpu.memory_space<vmem>> -> memref<4096xf32, #tpu.memory_space<vmem>>
    %dma_wait3A_356 = tpu.memref_slice %arg4[%add3A_311] : memref<26214400xf32, #tpu.memory_space<hbm>> -> memref<4096xf32, #tpu.memory_space<hbm>>
    %dma_wait3A_357 = tpu.memref_slice %arg4[%add3A_311] : memref<26214400xf32, #tpu.memory_space<hbm>> -> memref<4096xf32, #tpu.memory_space<hbm>>
    %dma_wait3A_358 = arith.constant 28672 : i32
    %dma_wait3A_359 = tpu.memref_slice %arg7[%dma_wait3A_358] : memref<32768xf32, #tpu.memory_space<vmem>> -> memref<4096xf32, #tpu.memory_space<vmem>>
    tpu.wait_dma2 semaphore(%arg12 : memref<!tpu.dma_semaphore, #tpu.memory_space<semaphore_mem>>) src(%dma_wait3A_359 : memref<4096xf32, #tpu.memory_space<vmem>>) dst(%dma_wait3A_357 : memref<4096xf32, #tpu.memory_space<hbm>>)
    return
  }
}

</mosaic_0001>

<sc_bundles>
// kernel: kernel.3.cloned.1.call-start
scs
__scs_entry_jumppad:
0x0: {  	(pc) =	sbr.rel $0x88, $3  }
0x1: {  	(tag) =	ssettag $0x0;
	lr =	simm.s32 $0x1  }
0x2: {  	[smem:$0x3F9F] =	sst lr;
	_ =	strace $0xD0000000  }
0x3: {  	_ = 	snop  }
0x4: {  	_ = 	snop  }
0x5: {  	_ = 	snop  }
0x6: {  	_ = 	snop  }
0x7: {  	_ = 	snop  }
__scs_overlays_trampoline_lowered:
0x8: {  	[smem:$0x3FAE] =	sst s0  }
0x9: {  	[smem:$0x3FAF] =	sst s1  }
0xa: {  	[smem:$0x3FB0] =	sst s2  }
0xb: {  	[smem:$0x3FB1] =	sst s3  }
0xc: {  	[smem:$0x3FB2] =	sst s4  }
0xd: {  	[smem:$0x3FB3] =	sst s5  }
0xe: {  	[smem:$0x3FB4] =	sst s6  }
0xf: {  	[smem:$0x3FB5] =	sst s7  }
0x10: {  	[smem:$0x3FB6] =	sst s8  }
0x11: {  	[smem:$0x3FB7] =	sst s9;
	s0 =	simm.s32 @!p0 $0x0  }
0x12: {  	s1 =	sld [smem:$0x3F9D];
	s0 =	simm.s32 @p0 $0x1  }
0x13: {  	[smem:$0x3FB8] =	sst s0;
	s0 =	simm.s32 @!p1 $0x0  }
0x14: {  	s2 =	sld [smem:$0x3F9C];
	s0 =	simm.s32 @p1 $0x1  }
0x15: {  	[smem:$0x3FB9] =	sst s0;
	s0 =	simm.s32 @!p2 $0x0  }
0x16: {  	s3 =	sld [smem:$0x3FDB];
	s0 =	simm.s32 @p2 $0x1  }
0x17: {  	s4 =	simm.s32 $0x1BF5;
	[smem:$0x3FBB] =	sst s0  }
0x18: {  	s0 =	sld [smem:$0x3F9E];
	_ =	swait.ge [sflag:s4], $0x0  }
0x19: {  	s7 =	sld [smem:$0x3F9F]  }
0x1a: {  	s8 =	sadd.s32 $0xFFFFE003, lr  }
0x1b: {  	s9 =	sadd.s32 $0xFFFFFEF7, lr;
	s5 =	simm.s32 $0xFFFFFFFF;
	p2 =	slt.u32 s8, $0xFFFFF086  }
0x1c: {  	p1 =	slt.u32 s9, $0xF7A;
	s5 =	simm.s32 @!p2 $0x0  }
0x1d: {  	s5 =	simm.s32 @p1 $0x1;
	p0 =	seq.s32 s7, s2  }
0x1e: {  	s7 =	smul.u32 @!p0 $0xF7A, s2;
	p2 =	seq.s32 @!p0 s5, $0x0  }
0x1f: {  	s9 =	smul.u32 $0xF7A, s1;
	s8 =	simm.s32 @!p0 $0x1BF5;
	p2 =	por !p2, p0  }
0x20: {  	[sflag:s8] =	ssyncset.s32 @!p0 $0xFFFFF086;
	s6 =	sadd.s32 @!p0 s3, s7;
	s7 =	simm.s32 @!p0 $0x108  }
0x21: {  	s3 =	sadd.s32 s3, s9;
	s6 =	sadd.s32 @!p0 $0x88, s6;
	s7 =	simm.s32 @p2 $0x1082  }
0x22: {  	[simem:s7], [sflag:s8] =	dma.local @!p0 [hbm:s6], $0xF7A  }
0x23: {  	s9 =	sor.u32 $0xD0000000, s2;
	s6 =	simm.s32 $0x108;
	_ =	swait.ge @!p0 [sflag:s8], $0x0  }
0x24: {  	s3 =	sadd.s32 $0x88, s3;
	s6 =	simm.s32 @!p1 $0x1082;
	[sflag:s4] =	ssyncset.s32 $0xFFFFF086  }
0x25: {  	[simem:s6], [sflag:s4] =	dma.local [hbm:s3], $0xF7A  }
0x26: {  	[smem:$0x3F9F] =	sst s1;
	(tag) =	ssettag s2;
	_ =	strace s9  }
0x27: {  	s1 =	sld [smem:$0x3FAF]  }
0x28: {  	s2 =	sld [smem:$0x3FB0]  }
0x29: {  	s4 =	sld [smem:$0x3FB2]  }
0x2a: {  	p0 =	seq.s32 s5, $0x0;
	s5 =	sld [smem:$0x3FB3]  }
0x2b: {  	s6 =	sld [smem:$0x3FB4]  }
0x2c: {  	s7 =	sld [smem:$0x3FB5]  }
0x2d: {  	s3 =	simm.s32 $0x108;
	s8 =	sld [smem:$0x3FB6]  }
0x2e: {  	s3 =	simm.s32 @!p0 $0x1082;
	s9 =	sld [smem:$0x3FB7]  }
0x2f: {  	lr =	sadd.s32 s0, s3;
	s0 =	sld [smem:$0x3FAE]  }
0x30: {  	s3 =	sld [smem:$0x3FB1]  }
0x31: {  	[smem:$0x3FBA] =	sst s10  }
0x32: {  	s10 =	sld [smem:$0x3FB8];
	_ =	sdelay $0x3  }
0x33: {  	p0 =	seq.s32 s10, $0x1;
	s10 =	sld [smem:$0x3FBA];
	_ =	sdelay $0x3  }
0x34: {  	[smem:$0x3FBA] =	sst s10  }
0x35: {  	s10 =	sld [smem:$0x3FB9];
	_ =	sdelay $0x3  }
0x36: {  	p1 =	seq.s32 s10, $0x1;
	s10 =	sld [smem:$0x3FBA];
	_ =	sdelay $0x3  }
0x37: {  	[smem:$0x3FBA] =	sst s10  }
0x38: {  	s10 =	sld [smem:$0x3FBB]  }
0x39: {  	_ = 	snop;
	(pc) =	sbr.ind lr, $3  }
0x3a: {  	_ = 	snop  }
0x3b: {  	_ = 	snop  }
0x3c: {  	p2 =	seq.s32 s10, $0x1;
	s10 =	sld [smem:$0x3FBA]  }
0x3d: {  	_ =	shalt  }
0x3e: {  	_ =	shalt  }
0x3f: {  	_ =	shalt  }
0x40: {  	_ =	shalt  }
0x41: {  	_ =	shalt  }
0x42: {  	_ =	shalt  }
0x43: {  	_ =	shalt  }
0x44: {  	_ =	shalt  }
0x45: {  	_ =	shalt  }
0x46: {  	_ =	shalt  }
0x47: {  	_ =	shalt  }
0x48: {  	_ =	shalt  }
0x49: {  	_ =	shalt  }
0x4a: {  	_ =	shalt  }
0x4b: {  	_ =	shalt  }
0x4c: {  	_ =	shalt  }
0x4d: {  	_ =	shalt  }
0x4e: {  	_ =	shalt  }
0x4f: {  	_ =	shalt  }
0x50: {  	_ =	shalt  }
0x51: {  	_ =	shalt  }
0x52: {  	_ =	shalt  }
0x53: {  	_ =	shalt  }
0x54: {  	_ =	shalt  }
0x55: {  	_ =	shalt  }
0x56: {  	_ =	shalt  }
0x57: {  	_ =	shalt  }
0x58: {  	_ =	shalt  }
0x59: {  	_ =	shalt  }
0x5a: {  	_ =	shalt  }
0x5b: {  	_ =	shalt  }
0x5c: {  	_ =	shalt  }
0x5d: {  	_ =	shalt  }
0x5e: {  	_ =	shalt  }
0x5f: {  	_ =	shalt  }
0x60: {  	_ =	shalt  }
0x61: {  	_ =	shalt  }
0x62: {  	_ =	shalt  }
0x63: {  	_ =	shalt  }
0x64: {  	_ =	shalt  }
0x65: {  	_ =	shalt  }
0x66: {  	_ =	shalt  }
0x67: {  	_ =	shalt  }
0x68: {  	_ =	shalt  }
0x69: {  	_ =	shalt  }
0x6a: {  	_ =	shalt  }
0x6b: {  	_ =	shalt  }
0x6c: {  	_ =	shalt  }
0x6d: {  	_ =	shalt  }
0x6e: {  	_ =	shalt  }
0x6f: {  	_ =	shalt  }
0x70: {  	_ =	shalt  }
0x71: {  	_ =	shalt  }
0x72: {  	_ =	shalt  }
0x73: {  	_ =	shalt  }
0x74: {  	_ =	shalt  }
0x75: {  	_ =	shalt  }
0x76: {  	_ =	shalt  }
0x77: {  	_ =	shalt  }
0x78: {  	_ =	shalt  }
0x79: {  	_ =	shalt  }
0x7a: {  	_ =	shalt  }
0x7b: {  	_ =	shalt  }
0x7c: {  	_ =	shalt  }
0x7d: {  	_ =	shalt  }
0x7e: {  	_ =	shalt  }
0x7f: {  	_ =	shalt  }
0x80: {  	_ =	shalt  }
0x81: {  	_ =	shalt  }
0x82: {  	_ =	shalt  }
0x83: {  	_ =	shalt  }
0x84: {  	_ =	shalt  }
0x85: {  	_ =	shalt  }
0x86: {  	_ =	shalt  }
0x87: {  	_ =	shalt  }
.Lfunc_end0:
.L_simem_size_0:
called_computation_lowered:
.L_overlay_start_0:
0x88: {  	s2 =	sld [smem:$0x3FD9]  }
0x89: {  	s3 =	sld [smem:$0x3FFE];
	_ =	sdelay $0x1  }
0x8a: {  	s1 =	srdreg.scid  }
0x8b: {  	s0 =	sand.u32 $0x1, s1  }
0x8c: {  	s17 =	sshll.u32 s0, $0xA;
	s2 =	sadd.s32 s3, s2  }
0x8d: {  	s2 =	sadd.s32 s2, s17  }
0x8e: {  	[smem:$0x3FC6] =	sst s2  }
0x8f: {  	_ = 	snop  }
0x90: {  	s2 =	sld [smem:$0x3FC9]  }
0x91: {  	s18 =	sld [smem:$0x3FD0];
	(tm) =	ssettm $0x1  }
0x92: {  	s4 =	sld [smem:$0x3FFB];
	_ =	sdelay $0x3  }
0x93: {  	_ =	strace s4  }
0x94: {  	s4 =	sld [smem:$0x3FFC];
	_ =	sdelay $0x3  }
0x95: {  	_ =	strace s4  }
0x96: {  	s4 =	sld [smem:$0x3FFD];
	_ =	sdelay $0x3  }
0x97: {  	_ =	strace s4  }
0x98: {  	_ =	strace $0x8FFFFFFF  }
0x99: {  	s19 =	sld [smem:$0x3FDB];
	_ =	sdelay $0x1  }
0x9a: {  	s5 =	simm.s32 $_scs_section_size  }
0x9b: {  	s6 =	simm.s32 $_size__tile_overlayer_lowered;
	s7 =	simm.s32 $_tile_overlayer_lowered  }
0x9c: {  	s22 =	simm.s32 $0x1BFF;
	s21 =	sshll.u32 s7, $0x1;
	s4 =	sadd.s32 s5, s19  }
0x9d: {  	s8 =	simm.s32 $0x0;
	s20 =	sshll.u32 s6, $0x1;
	s6 =	sadd.s32 s21, s4  }
0x9e: {  	[timem:s8], [sflag:s22] =	dma.local [hbm:s6], s20  }
0x9f: {  	_ =	swait.ge [sflag:s22], s20  }
0xa0: {  	s5 =	ssub.s32 $0x0, s20;
	[sflag:s22] =	ssyncset.done $0x0  }
0xa1: {  	[sflag:s22] =	ssyncadd.s32 s5;
	_ =	sdelay $0x1  }
0xa2: {  	s23 =	simm.s32 $0x1B8B  }
0xa3: {  	_ =	swait.ge [sflag:s23], $0x1  }
0xa4: {  	[sflag:s23] =	ssyncset.done $0x0  }
0xa5: {  	s25 =	simm.s32 $0x1B8E;
	s24 =	sld [smem:$0x3FFE];
	[sflag:s23] =	ssyncadd.s32 $0xFFFFFFFF  }
0xa6: {  	s26 =	simm.s32 $execute0_lowered;
	[smem:$0x3FD2] =	sst s25  }
0xa7: {  	s6 =	sshll.u32 s26, $0x1;
	_ =	strace $0x80000046;
	[dreg:$0x1] =	wrdreg $0xFFFFFFFF  }
0xa8: {  	s28 =	simm.s32 $_size_execute0_lowered;
	s4 =	sadd.s32 s4, s6;
	[dreg:$0x0] =	wrdreg $0x0  }
0xa9: {  	s6 =	sshll.u32 s28, $0x1;
	[dreg:$0x2] =	wrdreg s4  }
0xaa: {  	[dreg:$0x3] =	wrdreg s6  }
0xab: {  	[dreg:$0x4] =	wrdreg $0xC0  }
0xac: {  	_ =	task [dreg:s8], $0x5FFFF  }
0xad: {  	[dreg:$0x1] =	wrdreg $0xFFFFFFFF  }
0xae: {  	[dreg:$0x0] =	wrdreg $0x60  }
0xaf: {  	[dreg:$0x2] =	wrdreg s2  }
0xb0: {  	[dreg:$0x3] =	wrdreg s24  }
0xb1: {  	[dreg:$0x4] =	wrdreg s18  }
0xb2: {  	[dreg:$0x5] =	wrdreg $0x9  }
0xb3: {  	_ =	task.clear_ibuf [dreg:s8], $0x6FFFF;
	_ =	strace $0x90000046  }
0xb4: {  	s29 =	simm.s32 $0x9;
	_ =	strace $0x80000048  }
0xb5: {  	_ =	swait.ge [sflag:s29], $0x1  }
0xb6: {  	[sflag:s29] =	ssyncadd.s32 $0xFFFFFFFF  }
0xb7: {  	_ =	strace $0x90000048  }
0xb8: {  	_ =	sfence  }
0xb9: {  	s30 =	sld [smem:$0x0];
	_ =	sdelay $0x2  }
0xba: {  	s31 =	sshll.u32 s1, $0xD;
	s1 =	sshrl.u32 s1, $0x2  }
0xbb: {  	s3 =	sand.u32 $0x4000, s31;
	s1 =	sadd.s32 s1, s30  }
0xbc: {  	s0 =	sor.u32 s3, s0;
	s1 =	sshll.u32 s1, $0x11  }
0xbd: {  	s0 =	sor.u32 s1, s0  }
0xbe: {  	s0 =	sadd.s32 $0x8F2B, s0  }
0xbf: {  	[sflag:s0] =	ssyncadd.remote.s32 $0x1  }
0xc0: {  	_ =	sfence.sel $0xFFFF  }
0xc1: {  	[dreg:$0x0] =	wrdreg $0xFFFFFFFF;
	(pc) =	sbr.abs _section_cstart, $3  }
0xc2: {  	[dreg:$0x1] =	wrdreg $0xFFFFFFFF  }
0xc3: {  	_ =	task.clear_ibuf [dreg:s8], $0x2FFFF;
	_ =	strace $0x9FFFFFFF  }
0xc4: {  	(tm) =	ssettm $0x7FFFFFFF  }
0xc5: {  	_ =	shalt  }
tec
execute0_lowered:
.L_overlay_start_1:
0x0: {  	(tag) =	ssettag $0x1  }
0x1: {  	s1 =	rddreg [dreg:$0x0]  }
0x2: {  	s0 =	srdreg.scid;
	s2 =	rddreg [dreg:$0x1]  }
0x3: {  	s3 =	stileid.u32;
	s8 =	rddreg [dreg:$0x2]  }
0x4: {  	s4 =	simm.s32 $0x0;
	s10 =	simm.s32 $0x0;
	s0 =	sand.u32 $0x1, s0  }
0x5: {  	s3 =	sshll.u32 s3, $0xD;
	[smem:$0x7FF] =	sst s4;
	s2 =	sadd.s32 $0x400, s2  }
0x6: {  	s11 =	sadd.s32 $0x4000, s8;
	s12 =	sadd.s32 $0x8000, s8;
	s13 =	sadd.s32 $0xC000, s8  }
0x7: {  	s14 =	sadd.s32 $0x10000, s8;
	s5 =	sshll.u32 s0, $0xC;
	s0 =	ssub.s32 $0x2, s0  }
0x8: {  	_ =	strace $0x80000047;
	[dreg:$0x5] =	wrdreg s2;
	s5 =	sor.u32 s5, s3  }
0x9: {  	s6 =	sshrl.u32 s0, $0x1;
	s3 =	sshrl.u32 s5, $0x3;
	s19 =	sor.u32 $0x60000, s5  }
0xa: {  	s0 =	ssub.s32 s0, s6;
	s7 =	sadd.s32 s1, s3;
	[dreg:$0x7] =	wrdreg s19  }
0xb: {  	s15 =	sadd.s32 $0x14000, s8;
	s0 =	smax.u32 s0, $0x1;
	[dreg:$0x4] =	wrdreg s7  }
0xc: {  	s20 =	sadd.s32 s3, s8;
	s18 =	sadd.s32 $0x4000, s7;
	[dreg:$0x10] =	wrdreg s0  }
0xd: {  	s16 =	sadd.s32 $0x18000, s8;
	s3 =	sadd.s32 $0x300000, s20;
	[dreg:$0x6] =	wrdreg s18  }
0xe: {  	s28 =	sadd.s32 $0x20000, s8;
	s21 =	sadd.s32 $0x304000, s20;
	[dreg:$0x8] =	wrdreg s3  }
0xf: {  	s29 =	sadd.s32 $0x24000, s8;
	s22 =	sadd.s32 $0x308000, s20;
	[dreg:$0x9] =	wrdreg s21  }
0x10: {  	s30 =	sadd.s32 $0x28000, s8;
	s23 =	sadd.s32 $0x30C000, s20;
	[dreg:$0xa] =	wrdreg s22  }
0x11: {  	s31 =	sadd.s32 $0x2C000, s8;
	s24 =	sadd.s32 $0x310000, s20;
	[dreg:$0xb] =	wrdreg s23  }
0x12: {  	s9 =	sor.u32 $0x40000, s5;
	s25 =	sadd.s32 $0x314000, s20;
	[dreg:$0xc] =	wrdreg s24  }
0x13: {  	s19 =	simm.s32 $0x1;
	s26 =	sadd.s32 $0x318000, s20;
	[dreg:$0xd] =	wrdreg s25  }
0x14: {  	s2 =	sadd.s32 $0x31C000, s20;
	s0 =	sadd.s32 $0x34000, s8;
	[dreg:$0xe] =	wrdreg s26  }
0x15: {  	s7 =	sadd.s32 $0x38000, s8;
	[dreg:$0xf] =	wrdreg s2;
	s26 =	sadd.s32 $0x1C000, s8  }
0x16: {  	s2 =	sadd.s32 $0x30000, s8;
	s8 =	sadd.s32 $0x3C000, s8;
	s3 =	simm.s32 $0x2  }
.LBB2_1:
0x17: {  	[dreg:$0x11] =	wrdreg s10  }
0x18: {  	s6 =	rddreg [dreg:$0x5];
	s21 =	simm.s32 $0x12000;
	s22 =	simm.s32 $0x5  }
0x19: {  	[tilespmem:s21], [sflag:$0x5] =	stream.linear.gather [hbm4b:s6+s4], $0x80, $0x38;
	[tilespmem:$0x12080] =	vst v63  }
0x1a: {  	_ =	swait.ge [sflag:s22], $0x80  }
0x1b: {  	[sflag:s22] =	ssyncset.done $0x0  }
0x1c: {  	[sflag:s22] =	ssyncadd.s32 $0xFFFFFF80  }
0x1d: {  	v0 =	vld [tilespmem:$0x12000]  }
0x1e: {  	v1 =	vld [tilespmem:$0x12010]  }
0x1f: {  	v2 =	vld [tilespmem:$0x12020]  }
0x20: {  	v3 =	vld [tilespmem:$0x12030]  }
0x21: {  	v4 =	vld [tilespmem:$0x12040]  }
0x22: {  	v5 =	vld [tilespmem:$0x12050]  }
0x23: {  	s23 =	rddreg [dreg:$0x4];
	v6 =	vld [tilespmem:$0x12060]  }
0x24: {  	v7 =	vld [tilespmem:$0x12070];
	[tilespmem:s4], [sflag:$0x1] =	stream.linear.gather [hbm4b:s23+s4], $0x1000, $0x38  }
0x25: {  	s25 =	simm.s32 $0x1000;
	s20 =	simm.s32 $0x0;
	s24 =	rddreg [dreg:$0x6]  }
0x26: {  	[tilespmem:s25], [sflag:$0x2] =	stream.linear.gather [hbm4b:s24+s4], $0x1000, $0x38;
	[tilespmem:$0x12080] =	vst v63  }
.LBB2_2:
0x27: {  	_ =	swait.ge [sflag:s19], $0x1000  }
0x28: {  	p0 =	seq.s32 s20, $0x0;
	[sflag:s19] =	ssyncset.done $0x0  }
0x29: {  	s6 =	simm.s32 @!p0 $0x3;
	[sflag:s19] =	ssyncadd.s32 $0xFFFFF000  }
0x2a: {  	_ =	swait.ge @!p0 [sflag:s6], $0x1000  }
0x2b: {  	[sflag:s6] =	ssyncset.done @!p0 $0x0  }
0x2c: {  	[sflag:s6] =	ssyncadd.s32 @!p0 $0xFFFFF000  }
0x2d: {  	_ =	swait.ge @!p0 [sflag:s6], $0x1000  }
0x2e: {  	[sflag:s6] =	ssyncset.done @!p0 $0x0  }
0x2f: {  	[sflag:s6] =	ssyncadd.s32 @!p0 $0xFFFFF000  }
0x30: {  	_ =	swait.ge @!p0 [sflag:s6], $0x1000  }
0x31: {  	[sflag:s6] =	ssyncset.done @!p0 $0x0  }
0x32: {  	[sflag:s6] =	ssyncadd.s32 @!p0 $0xFFFFF000  }
0x33: {  	_ =	swait.ge @!p0 [sflag:s6], $0x1000  }
0x34: {  	[sflag:s6] =	ssyncset.done @!p0 $0x0  }
0x35: {  	[sflag:s6] =	ssyncadd.s32 @!p0 $0xFFFFF000  }
0x36: {  	_ =	swait.ge @!p0 [sflag:s6], $0x1000  }
0x37: {  	[sflag:s6] =	ssyncset.done @!p0 $0x0  }
0x38: {  	[sflag:s6] =	ssyncadd.s32 @!p0 $0xFFFFF000  }
0x39: {  	_ =	swait.ge @!p0 [sflag:s6], $0x1000  }
0x3a: {  	[sflag:s6] =	ssyncset.done @!p0 $0x0  }
0x3b: {  	[sflag:s6] =	ssyncadd.s32 @!p0 $0xFFFFF000  }
0x3c: {  	_ =	swait.ge @!p0 [sflag:s6], $0x1000  }
0x3d: {  	[sflag:s6] =	ssyncset.done @!p0 $0x0  }
0x3e: {  	[sflag:s6] =	ssyncadd.s32 @!p0 $0xFFFFF000  }
0x3f: {  	_ =	swait.ge @!p0 [sflag:s6], $0x1000  }
0x40: {  	[sflag:s6] =	ssyncset.done @!p0 $0x0  }
0x41: {  	s25 =	simm.s32 $0x40;
	[sflag:s6] =	ssyncadd.s32 @!p0 $0xFFFFF000  }
0x42: {  	v8 =	vld [tilespmem:s25+$0x30]  }
0x43: {  	v9 =	vld [tilespmem:s25+$0xFFFFFFD0];
	_ =	sdelay $0x1  }
0x44: {  	v10 =	vld [tilespmem:s25+$0xFFFFFFC0];
	_ =	sdelay $0x1  }
0x45: {  	v11 =	vshrl.u32 v8, $0x1B  }
0x46: {  	v12 =	vshrl.u32 v9, $0x1B;
	v11 =	vand.u32 $0x10, v11  }
0x47: {  	s22 =	simm.s32 $0x0;
	v12 =	vand.u32 $0x10, v12;
	v8 =	vadd.s32 v8, v11  }
0x48: {  	s17 =	sand.u32 $0x7000, s22;
	s21 =	sand.u32 $0xC00, s22;
	v11 =	vshrl.u32 v10, $0x1B;
	v9 =	vadd.s32 v9, v12;
	v13 =	vperm.xlane v7, v8  }
0x49: {  	s23 =	sor.u32 s21, s17;
	v11 =	vand.u32 $0x10, v11;
	v14 =	vperm.xlane v5, v9  }
0x4a: {  	v10 =	vadd.s32 v10, v11;
	v11 =	vperm.xlane v0, v9;
	[tilespmem:s23+$0x23F0] =	vst v13  }
0x4b: {  	v12 =	vperm.xlane v0, v10;
	[tilespmem:s23+$0x2290] =	vst v14  }
0x4c: {  	v13 =	vperm.xlane v1, v10;
	[tilespmem:s23+$0x2010] =	vst v11  }
0x4d: {  	v11 =	vperm.xlane v2, v10;
	[tilespmem:s23+$0x2000] =	vst v12  }
0x4e: {  	v12 =	vperm.xlane v3, v10;
	[tilespmem:s23+$0x2080] =	vst v13  }
0x4f: {  	v13 =	vperm.xlane v4, v10;
	[tilespmem:s23+$0x2100] =	vst v11  }
0x50: {  	v11 =	vperm.xlane v5, v10;
	[tilespmem:s23+$0x2180] =	vst v12  }
0x51: {  	v12 =	vperm.xlane v6, v10;
	[tilespmem:s23+$0x2200] =	vst v13;
	v13 =	vld [tilespmem:s25+$0xFFFFFFE0]  }
0x52: {  	v10 =	vperm.xlane v7, v10;
	[tilespmem:s23+$0x2280] =	vst v11  }
0x53: {  	v11 =	vperm.xlane v1, v9;
	[tilespmem:s23+$0x2300] =	vst v12  }
0x54: {  	v12 =	vperm.xlane v2, v9;
	[tilespmem:s23+$0x2380] =	vst v10  }
0x55: {  	v10 =	vperm.xlane v3, v9;
	[tilespmem:s23+$0x2090] =	vst v11  }
0x56: {  	v11 =	vperm.xlane v4, v9;
	[tilespmem:s23+$0x2110] =	vst v12;
	v12 =	vshrl.u32 v13, $0x1B  }
0x57: {  	[tilespmem:s23+$0x2190] =	vst v10;
	v10 =	vand.u32 $0x10, v12;
	v12 =	vperm.xlane v6, v9  }
0x58: {  	[tilespmem:s23+$0x2210] =	vst v11;
	v9 =	vperm.xlane v7, v9;
	v10 =	vadd.s32 v13, v10  }
0x59: {  	v11 =	vld [tilespmem:s25+$0xFFFFFFF0];
	v13 =	vperm.xlane v0, v10;
	[tilespmem:s23+$0x2310] =	vst v12  }
0x5a: {  	v12 =	vperm.xlane v1, v10;
	[tilespmem:s23+$0x2390] =	vst v9  }
0x5b: {  	v9 =	vperm.xlane v2, v10;
	[tilespmem:s23+$0x2020] =	vst v13  }
0x5c: {  	v14 =	vperm.xlane v5, v10;
	[tilespmem:s23+$0x20A0] =	vst v12  }
0x5d: {  	v13 =	vperm.xlane v3, v10;
	[tilespmem:s23+$0x2120] =	vst v9  }
0x5e: {  	v12 =	vperm.xlane v4, v10;
	v9 =	vshrl.u32 v11, $0x1B;
	[tilespmem:s23+$0x22A0] =	vst v14  }
0x5f: {  	v9 =	vand.u32 $0x10, v9;
	[tilespmem:s23+$0x21A0] =	vst v13;
	v13 =	vperm.xlane v6, v10  }
0x60: {  	[tilespmem:s23+$0x2220] =	vst v12;
	v9 =	vadd.s32 v11, v9;
	v10 =	vperm.xlane v7, v10  }
0x61: {  	v11 =	vld [tilespmem:s25+$0x0];
	v12 =	vperm.xlane v0, v9;
	[tilespmem:s23+$0x2320] =	vst v13  }
0x62: {  	v14 =	vperm.xlane v5, v9;
	[tilespmem:s23+$0x23A0] =	vst v10  }
0x63: {  	v13 =	vperm.xlane v1, v9;
	[tilespmem:s23+$0x2030] =	vst v12  }
0x64: {  	v10 =	vperm.xlane v2, v9;
	[tilespmem:s23+$0x22B0] =	vst v14  }
0x65: {  	v12 =	vperm.xlane v3, v9;
	[tilespmem:s23+$0x20B0] =	vst v13  }
0x66: {  	v15 =	vperm.xlane v6, v9;
	[tilespmem:s23+$0x2130] =	vst v10;
	v10 =	vshrl.u32 v11, $0x1B  }
0x67: {  	v13 =	vperm.xlane v4, v9;
	[tilespmem:s23+$0x21B0] =	vst v12;
	v12 =	vld [tilespmem:s25+$0x10];
	v10 =	vand.u32 $0x10, v10  }
0x68: {  	[tilespmem:s23+$0x2330] =	vst v15;
	v9 =	vperm.xlane v7, v9;
	v10 =	vadd.s32 v11, v10  }
0x69: {  	[tilespmem:s23+$0x2230] =	vst v13;
	v11 =	vperm.xlane v0, v10  }
0x6a: {  	[tilespmem:s23+$0x23B0] =	vst v9;
	v13 =	vperm.xlane v1, v10  }
0x6b: {  	v14 =	vperm.xlane v2, v10;
	[tilespmem:s23+$0x2040] =	vst v11  }
0x6c: {  	v15 =	vperm.xlane v3, v10;
	v11 =	vshrl.u32 v12, $0x1B;
	[tilespmem:s23+$0x20C0] =	vst v13  }
0x6d: {  	v9 =	vld [tilespmem:s25+$0x20];
	[tilespmem:s23+$0x2140] =	vst v14;
	v14 =	vperm.xlane v6, v10;
	v11 =	vand.u32 $0x10, v11  }
0x6e: {  	v13 =	vperm.xlane v4, v10;
	[tilespmem:s23+$0x21C0] =	vst v15;
	v11 =	vadd.s32 v12, v11;
	v12 =	vperm.xlane v5, v10  }
0x6f: {  	v10 =	vperm.xlane v7, v10;
	[tilespmem:s23+$0x2340] =	vst v14;
	v14 =	vperm.xlane v1, v8  }
0x70: {  	[tilespmem:s23+$0x2240] =	vst v13;
	v15 =	vperm.xlane v0, v11;
	v16 =	vperm.xlane v1, v11  }
0x71: {  	v17 =	vperm.xlane v2, v11;
	v24 =	vperm.xlane v4, v11;
	[tilespmem:s23+$0x22C0] =	vst v12  }
0x72: {  	v13 =	vshrl.u32 v9, $0x1B;
	v25 =	vperm.xlane v6, v11;
	v26 =	vperm.xlane v7, v11;
	[tilespmem:s23+$0x23C0] =	vst v10  }
0x73: {  	v12 =	vand.u32 $0x10, v13;
	v13 =	vperm.xlane v3, v11;
	v10 =	vperm.xlane v5, v8;
	[tilespmem:s23+$0x2050] =	vst v15  }
0x74: {  	v9 =	vadd.s32 v9, v12;
	v12 =	vperm.xlane v5, v11;
	[tilespmem:s23+$0x20D0] =	vst v16;
	v15 =	vperm.xlane v0, v8  }
0x75: {  	[tilespmem:s23+$0x2150] =	vst v17;
	v11 =	vperm.xlane v4, v8;
	v23 =	vperm.xlane v0, v9  }
0x76: {  	[tilespmem:s23+$0x2250] =	vst v24;
	v21 =	vperm.xlane v1, v9;
	v22 =	vperm.xlane v2, v9  }
0x77: {  	[tilespmem:s23+$0x2350] =	vst v25;
	v19 =	vperm.xlane v3, v9;
	v20 =	vperm.xlane v4, v9  }
0x78: {  	[tilespmem:s23+$0x23D0] =	vst v26;
	v18 =	vperm.xlane v5, v9;
	v17 =	vperm.xlane v6, v9  }
0x79: {  	s24 =	simm.s32 $0x0;
	[tilespmem:s23+$0x21D0] =	vst v13;
	v16 =	vperm.xlane v7, v9;
	v13 =	vperm.xlane v2, v8  }
0x7a: {  	s21 =	sshll.u32 s20, $0x12;
	s6 =	simm.s32 $0x0;
	s25 =	simm.s32 $0xC0;
	v9 =	vperm.xlane v6, v8;
	[tilespmem:s23+$0x22D0] =	vst v12;
	v12 =	vperm.xlane v3, v8  }
.LBB2_3:
0x7b: {  	v8 =	vld [tilespmem:s25+$0x30];
	s24 =	sadd.s32 $0x8, s24;
	[tilespmem:s23+$0x2060] =	vst v23  }
0x7c: {  	v23 =	vld [tilespmem:s25+$0xFFFFFFD0];
	p1 =	slt.u32 s24, $0xF8;
	[tilespmem:s23+$0x20E0] =	vst v21  }
0x7d: {  	v21 =	vld [tilespmem:s25+$0xFFFFFFE0];
	[tilespmem:s23+$0x2160] =	vst v22  }
0x7e: {  	v22 =	vld [tilespmem:s25+$0xFFFFFFF0];
	[tilespmem:s23+$0x21E0] =	vst v19  }
0x7f: {  	v19 =	vld [tilespmem:s25+$0x0];
	[tilespmem:s23+$0x2260] =	vst v20  }
0x80: {  	v20 =	vld [tilespmem:s25+$0x10];
	v24 =	vshrl.u32 v8, $0x1B;
	[tilespmem:s23+$0x22E0] =	vst v18  }
0x81: {  	v18 =	vshrl.u32 v23, $0x1B;
	v25 =	vld [tilespmem:s25+$0x20];
	v24 =	vand.u32 $0x10, v24;
	[tilespmem:s23+$0x2360] =	vst v17  }
0x82: {  	s22 =	sadd.s32 $0x80, s22;
	s6 =	sadd.s32 $0x1000, s6;
	v17 =	vld [tilespmem:s25+$0xFFFFFFC0];
	v18 =	vand.u32 $0x10, v18;
	v26 =	vshrl.u32 v21, $0x1B;
	v8 =	vadd.s32 v8, v24;
	[tilespmem:s23+$0x23E0] =	vst v16  }
0x83: {  	s17 =	sand.u32 $0x7000, s6;
	s18 =	sand.u32 $0xC00, s22;
	v16 =	vand.u32 $0x10, v26;
	v24 =	vshrl.u32 v22, $0x1B;
	v26 =	vperm.xlane v7, v8;
	[tilespmem:s23+$0x2070] =	vst v15  }
0x84: {  	s17 =	sor.u32 s18, s17;
	v15 =	vadd.s32 v23, v18;
	v18 =	vand.u32 $0x10, v24;
	v23 =	vshrl.u32 v19, $0x1B;
	[tilespmem:s23+$0x20F0] =	vst v14  }
0x85: {  	v14 =	vadd.s32 v21, v16;
	v16 =	vand.u32 $0x10, v23;
	v21 =	vshrl.u32 v20, $0x1B;
	[tilespmem:s17+$0x23F0] =	vst v26  }
0x86: {  	v18 =	vadd.s32 v22, v18;
	v21 =	vand.u32 $0x10, v21;
	v22 =	vshrl.u32 v25, $0x1B;
	[tilespmem:s23+$0x2170] =	vst v13  }
0x87: {  	v16 =	vadd.s32 v19, v16;
	v13 =	vshrl.u32 v17, $0x1B;
	v19 =	vand.u32 $0x10, v22;
	[tilespmem:s23+$0x21F0] =	vst v12  }
0x88: {  	v12 =	vand.u32 $0x10, v13;
	v13 =	vadd.s32 v20, v21;
	v24 =	vadd.s32 v25, v19;
	[tilespmem:s23+$0x2270] =	vst v11  }
0x89: {  	v11 =	vadd.s32 v17, v12;
	v12 =	vperm.xlane v0, v15;
	v17 =	vperm.xlane v1, v15;
	[tilespmem:s23+$0x22F0] =	vst v10  }
0x8a: {  	v10 =	vperm.xlane v0, v11;
	v19 =	vperm.xlane v1, v11;
	[tilespmem:s23+$0x2370] =	vst v9;
	s23 =	smov.u32 s17  }
0x8b: {  	v9 =	vperm.xlane v2, v11;
	v20 =	vperm.xlane v3, v11;
	[tilespmem:s23+$0x2010] =	vst v12  }
0x8c: {  	v12 =	vperm.xlane v5, v11;
	[tilespmem:s23+$0x2000] =	vst v10;
	v10 =	vperm.xlane v4, v11  }
0x8d: {  	[tilespmem:s23+$0x2080] =	vst v19;
	v19 =	vperm.xlane v6, v11;
	v11 =	vperm.xlane v7, v11  }
0x8e: {  	v21 =	vperm.xlane v3, v15;
	[tilespmem:s23+$0x2100] =	vst v9;
	v9 =	vperm.xlane v2, v15  }
0x8f: {  	v22 =	vperm.xlane v5, v15;
	[tilespmem:s23+$0x2180] =	vst v20;
	v20 =	vperm.xlane v4, v15  }
0x90: {  	[tilespmem:s23+$0x2200] =	vst v10;
	v10 =	vperm.xlane v6, v15;
	v15 =	vperm.xlane v7, v15  }
0x91: {  	v23 =	vperm.xlane v1, v14;
	[tilespmem:s23+$0x2280] =	vst v12;
	v12 =	vperm.xlane v0, v14  }
0x92: {  	v25 =	vperm.xlane v3, v14;
	[tilespmem:s23+$0x2300] =	vst v19;
	v19 =	vperm.xlane v2, v14  }
0x93: {  	v26 =	vperm.xlane v5, v14;
	[tilespmem:s23+$0x2380] =	vst v11;
	v11 =	vperm.xlane v4, v14  }
0x94: {  	[tilespmem:s23+$0x2090] =	vst v17;
	v17 =	vperm.xlane v6, v14;
	v14 =	vperm.xlane v7, v14  }
0x95: {  	v27 =	vperm.xlane v1, v18;
	[tilespmem:s23+$0x2110] =	vst v9;
	v9 =	vperm.xlane v0, v18  }
0x96: {  	v28 =	vperm.xlane v2, v18;
	v29 =	vperm.xlane v3, v18;
	[tilespmem:s23+$0x2190] =	vst v21  }
0x97: {  	v30 =	vperm.xlane v4, v18;
	v31 =	vperm.xlane v5, v18;
	[tilespmem:s23+$0x2210] =	vst v20  }
0x98: {  	v32 =	vperm.xlane v6, v18;
	v33 =	vperm.xlane v7, v18;
	[tilespmem:s23+$0x2290] =	vst v22  }
0x99: {  	v34 =	vperm.xlane v0, v16;
	v35 =	vperm.xlane v1, v16;
	[tilespmem:s23+$0x2310] =	vst v10  }
0x9a: {  	v36 =	vperm.xlane v2, v16;
	v37 =	vperm.xlane v3, v16;
	[tilespmem:s23+$0x2390] =	vst v15  }
0x9b: {  	v38 =	vperm.xlane v4, v16;
	v39 =	vperm.xlane v5, v16;
	[tilespmem:s23+$0x2020] =	vst v12  }
0x9c: {  	v40 =	vperm.xlane v6, v16;
	v41 =	vperm.xlane v7, v16;
	[tilespmem:s23+$0x20A0] =	vst v23  }
0x9d: {  	v42 =	vperm.xlane v0, v13;
	v43 =	vperm.xlane v1, v13;
	[tilespmem:s23+$0x2120] =	vst v19  }
0x9e: {  	v44 =	vperm.xlane v3, v13;
	[tilespmem:s23+$0x21A0] =	vst v25;
	v25 =	vperm.xlane v2, v13  }
0x9f: {  	v45 =	vperm.xlane v4, v13;
	v46 =	vperm.xlane v5, v13;
	[tilespmem:s23+$0x2220] =	vst v11  }
0xa0: {  	v47 =	vperm.xlane v7, v13;
	[tilespmem:s23+$0x22A0] =	vst v26;
	v26 =	vperm.xlane v6, v13  }
0xa1: {  	v21 =	vperm.xlane v1, v24;
	v23 =	vperm.xlane v0, v24;
	[tilespmem:s23+$0x2320] =	vst v17  }
0xa2: {  	v22 =	vperm.xlane v2, v24;
	v19 =	vperm.xlane v3, v24;
	[tilespmem:s23+$0x23A0] =	vst v14  }
0xa3: {  	v18 =	vperm.xlane v5, v24;
	v20 =	vperm.xlane v4, v24;
	[tilespmem:s23+$0x2030] =	vst v9  }
0xa4: {  	v16 =	vperm.xlane v7, v24;
	v17 =	vperm.xlane v6, v24;
	[tilespmem:s23+$0x20B0] =	vst v27  }
0xa5: {  	v15 =	vperm.xlane v0, v8;
	v14 =	vperm.xlane v1, v8;
	[tilespmem:s23+$0x2130] =	vst v28  }
0xa6: {  	v12 =	vperm.xlane v3, v8;
	v13 =	vperm.xlane v2, v8;
	[tilespmem:s23+$0x21B0] =	vst v29  }
0xa7: {  	v10 =	vperm.xlane v5, v8;
	v11 =	vperm.xlane v4, v8;
	[tilespmem:s23+$0x2230] =	vst v30  }
0xa8: {  	v9 =	vperm.xlane v6, v8;
	[tilespmem:s23+$0x22B0] =	vst v31  }
0xa9: {  	[tilespmem:s23+$0x2330] =	vst v32  }
0xaa: {  	[tilespmem:s23+$0x23B0] =	vst v33  }
0xab: {  	[tilespmem:s23+$0x2040] =	vst v34  }
0xac: {  	[tilespmem:s23+$0x20C0] =	vst v35  }
0xad: {  	[tilespmem:s23+$0x2140] =	vst v36  }
0xae: {  	[tilespmem:s23+$0x21C0] =	vst v37  }
0xaf: {  	[tilespmem:s23+$0x2240] =	vst v38  }
0xb0: {  	[tilespmem:s23+$0x22C0] =	vst v39  }
0xb1: {  	[tilespmem:s23+$0x2340] =	vst v40  }
0xb2: {  	[tilespmem:s23+$0x23C0] =	vst v41  }
0xb3: {  	[tilespmem:s23+$0x2050] =	vst v42  }
0xb4: {  	[tilespmem:s23+$0x20D0] =	vst v43  }
0xb5: {  	[tilespmem:s23+$0x2150] =	vst v25  }
.Ltmp0:
0xb6: {  	[tilespmem:s23+$0x21D0] =	vst v44;
	(pc) =	sbr.rel @p1 .LBB2_3-.Ltmp0, $4  }
0xb7: {  	[tilespmem:s23+$0x2250] =	vst v45  }
0xb8: {  	[tilespmem:s23+$0x22D0] =	vst v46  }
0xb9: {  	[tilespmem:s23+$0x2350] =	vst v26  }
0xba: {  	s25 =	sadd.s32 $0x80, s25;
	[tilespmem:s23+$0x23D0] =	vst v47  }
0xbb: {  	[tilespmem:s23+$0x2060] =	vst v23  }
0xbc: {  	[tilespmem:s23+$0x20E0] =	vst v21  }
0xbd: {  	[tilespmem:s23+$0x2160] =	vst v22  }
0xbe: {  	[tilespmem:s23+$0x21E0] =	vst v19  }
0xbf: {  	[tilespmem:s23+$0x2260] =	vst v20  }
0xc0: {  	[tilespmem:s23+$0x22E0] =	vst v18  }
0xc1: {  	[tilespmem:s23+$0x2360] =	vst v17  }
0xc2: {  	[tilespmem:s23+$0x23E0] =	vst v16  }
0xc3: {  	[tilespmem:s23+$0x2070] =	vst v15  }
0xc4: {  	[tilespmem:s23+$0x20F0] =	vst v14  }
0xc5: {  	[tilespmem:s23+$0x2170] =	vst v13  }
0xc6: {  	[tilespmem:s23+$0x21F0] =	vst v12;
	s6 =	sshll.u32 s20, $0x15  }
0xc7: {  	[tilespmem:s23+$0x2270] =	vst v11;
	s6 =	sor.u32 s5, s6  }
0xc8: {  	[tilespmem:s23+$0x22F0] =	vst v10;
	s17 =	rddreg [dreg:$0x2];
	s22 =	sshrl.u32 s6, $0x3  }
0xc9: {  	[tilespmem:s23+$0x2370] =	vst v9;
	s10 =	simm.s32 $0x2000;
	s6 =	sadd.s32 s17, s22  }
0xca: {  	[hbm4b:s6+s4] =	stream.linear.scatter [tilespmem:s10], [sflag:$0x3], $0x1000, $0x38;
	[tilespmem:$0x12080] =	vst v63  }
0xcb: {  	s23 =	simm.s32 $0x3000;
	s18 =	sadd.s32 s22, s11  }
0xcc: {  	[hbm4b:s18+s4] =	stream.linear.scatter [tilespmem:s23], [sflag:$0x3], $0x1000, $0x38;
	[tilespmem:$0x12080] =	vst v63  }
0xcd: {  	s25 =	simm.s32 $0x4000;
	s24 =	sadd.s32 s22, s12  }
0xce: {  	[hbm4b:s24+s4] =	stream.linear.scatter [tilespmem:s25], [sflag:$0x3], $0x1000, $0x38;
	[tilespmem:$0x12080] =	vst v63  }
0xcf: {  	s17 =	simm.s32 $0x5000;
	s10 =	sadd.s32 s22, s13  }
0xd0: {  	[hbm4b:s10+s4] =	stream.linear.scatter [tilespmem:s17], [sflag:$0x3], $0x1000, $0x38;
	[tilespmem:$0x12080] =	vst v63  }
0xd1: {  	s18 =	sadd.s32 s22, s14;
	s23 =	simm.s32 $0x6000  }
0xd2: {  	[hbm4b:s18+s4] =	stream.linear.scatter [tilespmem:s23], [sflag:$0x3], $0x1000, $0x38;
	[tilespmem:$0x12080] =	vst v63  }
0xd3: {  	s24 =	sadd.s32 s22, s15;
	s25 =	simm.s32 $0x7000  }
0xd4: {  	[hbm4b:s24+s4] =	stream.linear.scatter [tilespmem:s25], [sflag:$0x3], $0x1000, $0x38;
	[tilespmem:$0x12080] =	vst v63  }
0xd5: {  	s10 =	sadd.s32 s22, s16;
	s17 =	simm.s32 $0x8000;
	s24 =	sadd.s32 s9, s21  }
0xd6: {  	[hbm4b:s10+s4] =	stream.linear.scatter [tilespmem:s17], [sflag:$0x3], $0x1000, $0x38;
	[tilespmem:$0x12080] =	vst v63  }
0xd7: {  	s18 =	sadd.s32 s22, s26;
	s23 =	simm.s32 $0x9000;
	s6 =	sshrl.u32 s24, $0x3  }
0xd8: {  	[hbm4b:s18+s4] =	stream.linear.scatter [tilespmem:s23], [sflag:$0x3], $0x1000, $0x38;
	[tilespmem:$0x12080] =	vst v63  }
0xd9: {  	s6 =	sadd.s32 s1, s6  }
0xda: {  	[tilespmem:s4], [sflag:$0x1] =	stream.linear.gather [hbm4b:s6+s4], $0x1000, $0x38;
	[tilespmem:$0x12080] =	vst v63  }
0xdb: {  	_ =	swait.ge [sflag:s3], $0x1000  }
0xdc: {  	[sflag:s3] =	ssyncset.done $0x0  }
0xdd: {  	s6 =	simm.s32 @!p0 $0x4;
	[sflag:s3] =	ssyncadd.s32 $0xFFFFF000  }
0xde: {  	_ =	swait.ge @!p0 [sflag:s6], $0x1000  }
0xdf: {  	[sflag:s6] =	ssyncset.done @!p0 $0x0  }
0xe0: {  	[sflag:s6] =	ssyncadd.s32 @!p0 $0xFFFFF000  }
0xe1: {  	_ =	swait.ge @!p0 [sflag:s6], $0x1000  }
0xe2: {  	[sflag:s6] =	ssyncset.done @!p0 $0x0  }
0xe3: {  	[sflag:s6] =	ssyncadd.s32 @!p0 $0xFFFFF000  }
0xe4: {  	_ =	swait.ge @!p0 [sflag:s6], $0x1000  }
0xe5: {  	[sflag:s6] =	ssyncset.done @!p0 $0x0  }
0xe6: {  	[sflag:s6] =	ssyncadd.s32 @!p0 $0xFFFFF000  }
0xe7: {  	_ =	swait.ge @!p0 [sflag:s6], $0x1000  }
0xe8: {  	[sflag:s6] =	ssyncset.done @!p0 $0x0  }
0xe9: {  	[sflag:s6] =	ssyncadd.s32 @!p0 $0xFFFFF000  }
0xea: {  	_ =	swait.ge @!p0 [sflag:s6], $0x1000  }
0xeb: {  	[sflag:s6] =	ssyncset.done @!p0 $0x0  }
0xec: {  	[sflag:s6] =	ssyncadd.s32 @!p0 $0xFFFFF000  }
0xed: {  	_ =	swait.ge @!p0 [sflag:s6], $0x1000  }
0xee: {  	[sflag:s6] =	ssyncset.done @!p0 $0x0  }
0xef: {  	[sflag:s6] =	ssyncadd.s32 @!p0 $0xFFFFF000  }
0xf0: {  	_ =	swait.ge @!p0 [sflag:s6], $0x1000  }
0xf1: {  	[sflag:s6] =	ssyncset.done @!p0 $0x0  }
0xf2: {  	[sflag:s6] =	ssyncadd.s32 @!p0 $0xFFFFF000  }
0xf3: {  	_ =	swait.ge @!p0 [sflag:s6], $0x1000  }
0xf4: {  	[sflag:s6] =	ssyncset.done @!p0 $0x0  }
0xf5: {  	s25 =	simm.s32 $0x1040;
	[sflag:s6] =	ssyncadd.s32 @!p0 $0xFFFFF000  }
0xf6: {  	v8 =	vld [tilespmem:s25+$0x30]  }
0xf7: {  	v9 =	vld [tilespmem:s25+$0xFFFFFFD0];
	_ =	sdelay $0x1  }
0xf8: {  	v10 =	vld [tilespmem:s25+$0xFFFFFFC0];
	_ =	sdelay $0x1  }
0xf9: {  	v11 =	vshrl.u32 v8, $0x1B  }
0xfa: {  	v12 =	vshrl.u32 v9, $0x1B;
	v11 =	vand.u32 $0x10, v11  }
0xfb: {  	s24 =	simm.s32 $0x0;
	v12 =	vand.u32 $0x10, v12;
	v8 =	vadd.s32 v8, v11  }
0xfc: {  	s17 =	sand.u32 $0x7000, s24;
	s18 =	sand.u32 $0xC00, s24;
	v11 =	vshrl.u32 v10, $0x1B;
	v9 =	vadd.s32 v9, v12;
	v13 =	vperm.xlane v7, v8  }
0xfd: {  	s23 =	sor.u32 s18, s17;
	v11 =	vand.u32 $0x10, v11;
	v14 =	vperm.xlane v5, v9  }
0xfe: {  	v10 =	vadd.s32 v10, v11;
	v11 =	vperm.xlane v0, v9;
	[tilespmem:s23+$0xA3F0] =	vst v13  }
0xff: {  	v12 =	vperm.xlane v0, v10;
	[tilespmem:s23+$0xA290] =	vst v14  }
0x100: {  	v13 =	vperm.xlane v1, v10;
	[tilespmem:s23+$0xA010] =	vst v11  }
0x101: {  	v11 =	vperm.xlane v2, v10;
	[tilespmem:s23+$0xA000] =	vst v12  }
0x102: {  	v12 =	vperm.xlane v3, v10;
	[tilespmem:s23+$0xA080] =	vst v13  }
0x103: {  	v13 =	vperm.xlane v4, v10;
	[tilespmem:s23+$0xA100] =	vst v11  }
0x104: {  	v11 =	vperm.xlane v5, v10;
	[tilespmem:s23+$0xA180] =	vst v12  }
0x105: {  	v12 =	vperm.xlane v6, v10;
	[tilespmem:s23+$0xA200] =	vst v13;
	v13 =	vld [tilespmem:s25+$0xFFFFFFE0]  }
0x106: {  	v10 =	vperm.xlane v7, v10;
	[tilespmem:s23+$0xA280] =	vst v11  }
0x107: {  	v11 =	vperm.xlane v1, v9;
	[tilespmem:s23+$0xA300] =	vst v12  }
0x108: {  	v12 =	vperm.xlane v2, v9;
	[tilespmem:s23+$0xA380] =	vst v10  }
0x109: {  	v10 =	vperm.xlane v3, v9;
	[tilespmem:s23+$0xA090] =	vst v11  }
0x10a: {  	v11 =	vperm.xlane v4, v9;
	[tilespmem:s23+$0xA110] =	vst v12;
	v12 =	vshrl.u32 v13, $0x1B  }
0x10b: {  	[tilespmem:s23+$0xA190] =	vst v10;
	v10 =	vand.u32 $0x10, v12;
	v12 =	vperm.xlane v6, v9  }
0x10c: {  	[tilespmem:s23+$0xA210] =	vst v11;
	v9 =	vperm.xlane v7, v9;
	v10 =	vadd.s32 v13, v10  }
0x10d: {  	v11 =	vld [tilespmem:s25+$0xFFFFFFF0];
	v13 =	vperm.xlane v0, v10;
	[tilespmem:s23+$0xA310] =	vst v12  }
0x10e: {  	v12 =	vperm.xlane v1, v10;
	[tilespmem:s23+$0xA390] =	vst v9  }
0x10f: {  	v9 =	vperm.xlane v2, v10;
	[tilespmem:s23+$0xA020] =	vst v13  }
0x110: {  	v14 =	vperm.xlane v5, v10;
	[tilespmem:s23+$0xA0A0] =	vst v12  }
0x111: {  	v13 =	vperm.xlane v3, v10;
	[tilespmem:s23+$0xA120] =	vst v9  }
0x112: {  	v12 =	vperm.xlane v4, v10;
	v9 =	vshrl.u32 v11, $0x1B;
	[tilespmem:s23+$0xA2A0] =	vst v14  }
0x113: {  	v9 =	vand.u32 $0x10, v9;
	[tilespmem:s23+$0xA1A0] =	vst v13;
	v13 =	vperm.xlane v6, v10  }
0x114: {  	[tilespmem:s23+$0xA220] =	vst v12;
	v9 =	vadd.s32 v11, v9;
	v10 =	vperm.xlane v7, v10  }
0x115: {  	v11 =	vld [tilespmem:s25+$0x0];
	v12 =	vperm.xlane v0, v9;
	[tilespmem:s23+$0xA320] =	vst v13  }
0x116: {  	v14 =	vperm.xlane v5, v9;
	[tilespmem:s23+$0xA3A0] =	vst v10  }
0x117: {  	v13 =	vperm.xlane v1, v9;
	[tilespmem:s23+$0xA030] =	vst v12  }
0x118: {  	v10 =	vperm.xlane v2, v9;
	[tilespmem:s23+$0xA2B0] =	vst v14  }
0x119: {  	v12 =	vperm.xlane v3, v9;
	[tilespmem:s23+$0xA0B0] =	vst v13  }
0x11a: {  	v15 =	vperm.xlane v6, v9;
	[tilespmem:s23+$0xA130] =	vst v10;
	v10 =	vshrl.u32 v11, $0x1B  }
0x11b: {  	v13 =	vperm.xlane v4, v9;
	[tilespmem:s23+$0xA1B0] =	vst v12;
	v12 =	vld [tilespmem:s25+$0x10];
	v10 =	vand.u32 $0x10, v10  }
0x11c: {  	[tilespmem:s23+$0xA330] =	vst v15;
	v9 =	vperm.xlane v7, v9;
	v10 =	vadd.s32 v11, v10  }
0x11d: {  	[tilespmem:s23+$0xA230] =	vst v13;
	v11 =	vperm.xlane v0, v10  }
0x11e: {  	[tilespmem:s23+$0xA3B0] =	vst v9;
	v13 =	vperm.xlane v1, v10  }
0x11f: {  	v14 =	vperm.xlane v2, v10;
	[tilespmem:s23+$0xA040] =	vst v11  }
0x120: {  	v15 =	vperm.xlane v3, v10;
	v11 =	vshrl.u32 v12, $0x1B;
	[tilespmem:s23+$0xA0C0] =	vst v13  }
0x121: {  	v9 =	vld [tilespmem:s25+$0x20];
	[tilespmem:s23+$0xA140] =	vst v14;
	v14 =	vperm.xlane v6, v10;
	v11 =	vand.u32 $0x10, v11  }
0x122: {  	v13 =	vperm.xlane v4, v10;
	[tilespmem:s23+$0xA1C0] =	vst v15;
	v11 =	vadd.s32 v12, v11;
	v12 =	vperm.xlane v5, v10  }
0x123: {  	v10 =	vperm.xlane v7, v10;
	[tilespmem:s23+$0xA340] =	vst v14;
	v14 =	vperm.xlane v1, v8  }
0x124: {  	[tilespmem:s23+$0xA240] =	vst v13;
	v15 =	vperm.xlane v0, v11;
	v16 =	vperm.xlane v1, v11  }
0x125: {  	v17 =	vperm.xlane v2, v11;
	v24 =	vperm.xlane v4, v11;
	[tilespmem:s23+$0xA2C0] =	vst v12  }
0x126: {  	v13 =	vshrl.u32 v9, $0x1B;
	v25 =	vperm.xlane v6, v11;
	v26 =	vperm.xlane v7, v11;
	[tilespmem:s23+$0xA3C0] =	vst v10  }
0x127: {  	v12 =	vand.u32 $0x10, v13;
	v13 =	vperm.xlane v3, v11;
	v10 =	vperm.xlane v5, v8;
	[tilespmem:s23+$0xA050] =	vst v15  }
0x128: {  	v9 =	vadd.s32 v9, v12;
	v12 =	vperm.xlane v5, v11;
	[tilespmem:s23+$0xA0D0] =	vst v16;
	v15 =	vperm.xlane v0, v8  }
0x129: {  	[tilespmem:s23+$0xA150] =	vst v17;
	v11 =	vperm.xlane v4, v8;
	v23 =	vperm.xlane v0, v9  }
0x12a: {  	[tilespmem:s23+$0xA250] =	vst v24;
	v21 =	vperm.xlane v1, v9;
	v22 =	vperm.xlane v2, v9  }
0x12b: {  	[tilespmem:s23+$0xA350] =	vst v25;
	v19 =	vperm.xlane v3, v9;
	v20 =	vperm.xlane v4, v9  }
0x12c: {  	[tilespmem:s23+$0xA3D0] =	vst v26;
	v18 =	vperm.xlane v5, v9;
	v17 =	vperm.xlane v6, v9  }
0x12d: {  	[tilespmem:s23+$0xA1D0] =	vst v13;
	v16 =	vperm.xlane v7, v9;
	v13 =	vperm.xlane v2, v8  }
0x12e: {  	s17 =	simm.s32 $0x0;
	s6 =	simm.s32 $0x10C0;
	s25 =	simm.s32 $0x0;
	v9 =	vperm.xlane v6, v8;
	[tilespmem:s23+$0xA2D0] =	vst v12;
	v12 =	vperm.xlane v3, v8  }
.LBB2_5:
0x12f: {  	v8 =	vld [tilespmem:s6+$0x30];
	s25 =	sadd.s32 $0x8, s25;
	[tilespmem:s23+$0xA060] =	vst v23  }
0x130: {  	v23 =	vld [tilespmem:s6+$0xFFFFFFD0];
	p0 =	slt.u32 s25, $0xF8;
	[tilespmem:s23+$0xA0E0] =	vst v21  }
0x131: {  	v21 =	vld [tilespmem:s6+$0xFFFFFFE0];
	[tilespmem:s23+$0xA160] =	vst v22  }
0x132: {  	v22 =	vld [tilespmem:s6+$0xFFFFFFF0];
	[tilespmem:s23+$0xA1E0] =	vst v19  }
0x133: {  	v19 =	vld [tilespmem:s6+$0x0];
	[tilespmem:s23+$0xA260] =	vst v20  }
0x134: {  	v20 =	vld [tilespmem:s6+$0x10];
	v24 =	vshrl.u32 v8, $0x1B;
	[tilespmem:s23+$0xA2E0] =	vst v18  }
0x135: {  	v18 =	vshrl.u32 v23, $0x1B;
	v25 =	vld [tilespmem:s6+$0x20];
	v24 =	vand.u32 $0x10, v24;
	[tilespmem:s23+$0xA360] =	vst v17  }
0x136: {  	s24 =	sadd.s32 $0x80, s24;
	s17 =	sadd.s32 $0x1000, s17;
	v17 =	vld [tilespmem:s6+$0xFFFFFFC0];
	v18 =	vand.u32 $0x10, v18;
	v26 =	vshrl.u32 v21, $0x1B;
	v8 =	vadd.s32 v8, v24;
	[tilespmem:s23+$0xA3E0] =	vst v16  }
0x137: {  	s18 =	sand.u32 $0x7000, s17;
	s10 =	sand.u32 $0xC00, s24;
	v16 =	vand.u32 $0x10, v26;
	v24 =	vshrl.u32 v22, $0x1B;
	v26 =	vperm.xlane v7, v8;
	[tilespmem:s23+$0xA070] =	vst v15  }
0x138: {  	s10 =	sor.u32 s10, s18;
	v15 =	vadd.s32 v23, v18;
	v18 =	vand.u32 $0x10, v24;
	v23 =	vshrl.u32 v19, $0x1B;
	[tilespmem:s23+$0xA0F0] =	vst v14  }
0x139: {  	v14 =	vadd.s32 v21, v16;
	v16 =	vand.u32 $0x10, v23;
	v21 =	vshrl.u32 v20, $0x1B;
	[tilespmem:s10+$0xA3F0] =	vst v26  }
0x13a: {  	v18 =	vadd.s32 v22, v18;
	v21 =	vand.u32 $0x10, v21;
	v22 =	vshrl.u32 v25, $0x1B;
	[tilespmem:s23+$0xA170] =	vst v13  }
0x13b: {  	v16 =	vadd.s32 v19, v16;
	v13 =	vshrl.u32 v17, $0x1B;
	v19 =	vand.u32 $0x10, v22;
	[tilespmem:s23+$0xA1F0] =	vst v12  }
0x13c: {  	v12 =	vand.u32 $0x10, v13;
	v13 =	vadd.s32 v20, v21;
	v24 =	vadd.s32 v25, v19;
	[tilespmem:s23+$0xA270] =	vst v11  }
0x13d: {  	v11 =	vadd.s32 v17, v12;
	v12 =	vperm.xlane v0, v15;
	v17 =	vperm.xlane v1, v15;
	[tilespmem:s23+$0xA2F0] =	vst v10  }
0x13e: {  	v10 =	vperm.xlane v0, v11;
	v19 =	vperm.xlane v1, v11;
	[tilespmem:s23+$0xA370] =	vst v9;
	s23 =	smov.u32 s10  }
0x13f: {  	v9 =	vperm.xlane v2, v11;
	v20 =	vperm.xlane v3, v11;
	[tilespmem:s23+$0xA010] =	vst v12  }
0x140: {  	v12 =	vperm.xlane v5, v11;
	[tilespmem:s23+$0xA000] =	vst v10;
	v10 =	vperm.xlane v4, v11  }
0x141: {  	[tilespmem:s23+$0xA080] =	vst v19;
	v19 =	vperm.xlane v6, v11;
	v11 =	vperm.xlane v7, v11  }
0x142: {  	v21 =	vperm.xlane v3, v15;
	[tilespmem:s23+$0xA100] =	vst v9;
	v9 =	vperm.xlane v2, v15  }
0x143: {  	v22 =	vperm.xlane v5, v15;
	[tilespmem:s23+$0xA180] =	vst v20;
	v20 =	vperm.xlane v4, v15  }
0x144: {  	[tilespmem:s23+$0xA200] =	vst v10;
	v10 =	vperm.xlane v6, v15;
	v15 =	vperm.xlane v7, v15  }
0x145: {  	v23 =	vperm.xlane v1, v14;
	[tilespmem:s23+$0xA280] =	vst v12;
	v12 =	vperm.xlane v0, v14  }
0x146: {  	v25 =	vperm.xlane v3, v14;
	[tilespmem:s23+$0xA300] =	vst v19;
	v19 =	vperm.xlane v2, v14  }
0x147: {  	v26 =	vperm.xlane v5, v14;
	[tilespmem:s23+$0xA380] =	vst v11;
	v11 =	vperm.xlane v4, v14  }
0x148: {  	[tilespmem:s23+$0xA090] =	vst v17;
	v17 =	vperm.xlane v6, v14;
	v14 =	vperm.xlane v7, v14  }
0x149: {  	v27 =	vperm.xlane v1, v18;
	[tilespmem:s23+$0xA110] =	vst v9;
	v9 =	vperm.xlane v0, v18  }
0x14a: {  	v28 =	vperm.xlane v2, v18;
	v29 =	vperm.xlane v3, v18;
	[tilespmem:s23+$0xA190] =	vst v21  }
0x14b: {  	v30 =	vperm.xlane v4, v18;
	v31 =	vperm.xlane v5, v18;
	[tilespmem:s23+$0xA210] =	vst v20  }
0x14c: {  	v32 =	vperm.xlane v6, v18;
	v33 =	vperm.xlane v7, v18;
	[tilespmem:s23+$0xA290] =	vst v22  }
0x14d: {  	v34 =	vperm.xlane v0, v16;
	v35 =	vperm.xlane v1, v16;
	[tilespmem:s23+$0xA310] =	vst v10  }
0x14e: {  	v36 =	vperm.xlane v2, v16;
	v37 =	vperm.xlane v3, v16;
	[tilespmem:s23+$0xA390] =	vst v15  }
0x14f: {  	v38 =	vperm.xlane v4, v16;
	v39 =	vperm.xlane v5, v16;
	[tilespmem:s23+$0xA020] =	vst v12  }
0x150: {  	v40 =	vperm.xlane v6, v16;
	v41 =	vperm.xlane v7, v16;
	[tilespmem:s23+$0xA0A0] =	vst v23  }
0x151: {  	v42 =	vperm.xlane v0, v13;
	v43 =	vperm.xlane v1, v13;
	[tilespmem:s23+$0xA120] =	vst v19  }
0x152: {  	v44 =	vperm.xlane v3, v13;
	[tilespmem:s23+$0xA1A0] =	vst v25;
	v25 =	vperm.xlane v2, v13  }
0x153: {  	v45 =	vperm.xlane v4, v13;
	v46 =	vperm.xlane v5, v13;
	[tilespmem:s23+$0xA220] =	vst v11  }
0x154: {  	v47 =	vperm.xlane v7, v13;
	[tilespmem:s23+$0xA2A0] =	vst v26;
	v26 =	vperm.xlane v6, v13  }
0x155: {  	v21 =	vperm.xlane v1, v24;
	v23 =	vperm.xlane v0, v24;
	[tilespmem:s23+$0xA320] =	vst v17  }
0x156: {  	v22 =	vperm.xlane v2, v24;
	v19 =	vperm.xlane v3, v24;
	[tilespmem:s23+$0xA3A0] =	vst v14  }
0x157: {  	v18 =	vperm.xlane v5, v24;
	v20 =	vperm.xlane v4, v24;
	[tilespmem:s23+$0xA030] =	vst v9  }
0x158: {  	v16 =	vperm.xlane v7, v24;
	v17 =	vperm.xlane v6, v24;
	[tilespmem:s23+$0xA0B0] =	vst v27  }
0x159: {  	v15 =	vperm.xlane v0, v8;
	v14 =	vperm.xlane v1, v8;
	[tilespmem:s23+$0xA130] =	vst v28  }
0x15a: {  	v12 =	vperm.xlane v3, v8;
	v13 =	vperm.xlane v2, v8;
	[tilespmem:s23+$0xA1B0] =	vst v29  }
0x15b: {  	v10 =	vperm.xlane v5, v8;
	v11 =	vperm.xlane v4, v8;
	[tilespmem:s23+$0xA230] =	vst v30  }
0x15c: {  	v9 =	vperm.xlane v6, v8;
	[tilespmem:s23+$0xA2B0] =	vst v31  }
0x15d: {  	[tilespmem:s23+$0xA330] =	vst v32  }
0x15e: {  	[tilespmem:s23+$0xA3B0] =	vst v33  }
0x15f: {  	[tilespmem:s23+$0xA040] =	vst v34  }
0x160: {  	[tilespmem:s23+$0xA0C0] =	vst v35  }
0x161: {  	[tilespmem:s23+$0xA140] =	vst v36  }
0x162: {  	[tilespmem:s23+$0xA1C0] =	vst v37  }
0x163: {  	[tilespmem:s23+$0xA240] =	vst v38  }
0x164: {  	[tilespmem:s23+$0xA2C0] =	vst v39  }
0x165: {  	[tilespmem:s23+$0xA340] =	vst v40  }
0x166: {  	[tilespmem:s23+$0xA3C0] =	vst v41  }
0x167: {  	[tilespmem:s23+$0xA050] =	vst v42  }
0x168: {  	[tilespmem:s23+$0xA0D0] =	vst v43  }
0x169: {  	[tilespmem:s23+$0xA150] =	vst v25  }
.Ltmp1:
0x16a: {  	[tilespmem:s23+$0xA1D0] =	vst v44;
	(pc) =	sbr.rel @p0 .LBB2_5-.Ltmp1, $4  }
0x16b: {  	[tilespmem:s23+$0xA250] =	vst v45  }
0x16c: {  	[tilespmem:s23+$0xA2D0] =	vst v46  }
0x16d: {  	[tilespmem:s23+$0xA350] =	vst v26  }
0x16e: {  	s6 =	sadd.s32 $0x80, s6;
	[tilespmem:s23+$0xA3D0] =	vst v47  }
0x16f: {  	[tilespmem:s23+$0xA060] =	vst v23  }
0x170: {  	[tilespmem:s23+$0xA0E0] =	vst v21  }
0x171: {  	[tilespmem:s23+$0xA160] =	vst v22  }
0x172: {  	[tilespmem:s23+$0xA1E0] =	vst v19  }
0x173: {  	[tilespmem:s23+$0xA260] =	vst v20  }
0x174: {  	[tilespmem:s23+$0xA2E0] =	vst v18  }
0x175: {  	[tilespmem:s23+$0xA360] =	vst v17  }
0x176: {  	[tilespmem:s23+$0xA3E0] =	vst v16  }
0x177: {  	[tilespmem:s23+$0xA070] =	vst v15  }
0x178: {  	[tilespmem:s23+$0xA0F0] =	vst v14  }
0x179: {  	[tilespmem:s23+$0xA170] =	vst v13  }
0x17a: {  	[tilespmem:s23+$0xA1F0] =	vst v12  }
0x17b: {  	[tilespmem:s23+$0xA270] =	vst v11  }
0x17c: {  	[tilespmem:s23+$0xA2F0] =	vst v10  }
0x17d: {  	[tilespmem:s23+$0xA370] =	vst v9;
	s6 =	sadd.s32 s22, s28;
	s10 =	simm.s32 $0xA000  }
0x17e: {  	[hbm4b:s6+s4] =	stream.linear.scatter [tilespmem:s10], [sflag:$0x4], $0x1000, $0x38;
	[tilespmem:$0x12080] =	vst v63  }
0x17f: {  	s24 =	sadd.s32 s22, s29;
	s25 =	simm.s32 $0xB000  }
0x180: {  	[hbm4b:s24+s4] =	stream.linear.scatter [tilespmem:s25], [sflag:$0x4], $0x1000, $0x38;
	[tilespmem:$0x12080] =	vst v63  }
0x181: {  	s17 =	simm.s32 $0xC000;
	s10 =	sadd.s32 s22, s30  }
0x182: {  	[hbm4b:s10+s4] =	stream.linear.scatter [tilespmem:s17], [sflag:$0x4], $0x1000, $0x38;
	[tilespmem:$0x12080] =	vst v63  }
0x183: {  	s18 =	sadd.s32 s22, s31;
	s23 =	simm.s32 $0xD000  }
0x184: {  	[hbm4b:s18+s4] =	stream.linear.scatter [tilespmem:s23], [sflag:$0x4], $0x1000, $0x38;
	[tilespmem:$0x12080] =	vst v63  }
0x185: {  	s24 =	sadd.s32 s22, s2;
	s25 =	simm.s32 $0xE000  }
0x186: {  	[hbm4b:s24+s4] =	stream.linear.scatter [tilespmem:s25], [sflag:$0x4], $0x1000, $0x38;
	[tilespmem:$0x12080] =	vst v63  }
0x187: {  	p0 =	seq.s32 s20, $0xB;
	s10 =	sadd.s32 s22, s0;
	s17 =	simm.s32 $0xF000  }
0x188: {  	[hbm4b:s10+s4] =	stream.linear.scatter [tilespmem:s17], [sflag:$0x4], $0x1000, $0x38;
	[tilespmem:$0x12080] =	vst v63  }
.Ltmp2:
0x189: {  	_ = 	snop;
	(pc) =	sbr.rel @p0 .LBB2_8-.Ltmp2, $4  }
0x18a: {  	s18 =	sadd.s32 s22, s7;
	s23 =	simm.s32 $0x10000  }
0x18b: {  	[hbm4b:s18+s4] =	stream.linear.scatter [tilespmem:s23], [sflag:$0x4], $0x1000, $0x38;
	[tilespmem:$0x12080] =	vst v63  }
0x18c: {  	s24 =	sadd.s32 s22, s8;
	s25 =	simm.s32 $0x11000  }
0x18d: {  	[hbm4b:s24+s4] =	stream.linear.scatter [tilespmem:s25], [sflag:$0x4], $0x1000, $0x38;
	[tilespmem:$0x12080] =	vst v63  }
.Ltmp3:
0x18e: {  	s6 =	rddreg [dreg:$0x7];
	(pc) =	sbr.rel .LBB2_2-.Ltmp3, $4  }
0x18f: {  	s6 =	sadd.s32 s6, s21  }
0x190: {  	s6 =	sshrl.u32 s6, $0x3  }
0x191: {  	s10 =	simm.s32 $0x1000;
	s20 =	sadd.s32 $0x1, s20;
	s6 =	sadd.s32 s1, s6  }
0x192: {  	[tilespmem:s10], [sflag:$0x2] =	stream.linear.gather [hbm4b:s6+s4], $0x1000, $0x38;
	[tilespmem:$0x12080] =	vst v63  }
.LBB2_8:
0x193: {  	_ =	swait.ge [sflag:s19], $0x1000  }
0x194: {  	[sflag:s19] =	ssyncset.done $0x0  }
0x195: {  	s23 =	simm.s32 $0x3;
	[sflag:s19] =	ssyncadd.s32 $0xFFFFF000  }
0x196: {  	_ =	swait.ge [sflag:s23], $0x1000  }
0x197: {  	[sflag:s23] =	ssyncset.done $0x0  }
0x198: {  	[sflag:s23] =	ssyncadd.s32 $0xFFFFF000  }
0x199: {  	_ =	swait.ge [sflag:s23], $0x1000  }
0x19a: {  	[sflag:s23] =	ssyncset.done $0x0  }
0x19b: {  	[sflag:s23] =	ssyncadd.s32 $0xFFFFF000  }
0x19c: {  	_ =	swait.ge [sflag:s23], $0x1000  }
0x19d: {  	[sflag:s23] =	ssyncset.done $0x0  }
0x19e: {  	[sflag:s23] =	ssyncadd.s32 $0xFFFFF000  }
0x19f: {  	_ =	swait.ge [sflag:s23], $0x1000  }
0x1a0: {  	[sflag:s23] =	ssyncset.done $0x0  }
0x1a1: {  	[sflag:s23] =	ssyncadd.s32 $0xFFFFF000  }
0x1a2: {  	_ =	swait.ge [sflag:s23], $0x1000  }
0x1a3: {  	[sflag:s23] =	ssyncset.done $0x0  }
0x1a4: {  	[sflag:s23] =	ssyncadd.s32 $0xFFFFF000  }
0x1a5: {  	_ =	swait.ge [sflag:s23], $0x1000  }
0x1a6: {  	[sflag:s23] =	ssyncset.done $0x0  }
0x1a7: {  	[sflag:s23] =	ssyncadd.s32 $0xFFFFF000  }
0x1a8: {  	_ =	swait.ge [sflag:s23], $0x1000  }
0x1a9: {  	[sflag:s23] =	ssyncset.done $0x0  }
0x1aa: {  	[sflag:s23] =	ssyncadd.s32 $0xFFFFF000  }
0x1ab: {  	_ =	swait.ge [sflag:s23], $0x1000  }
0x1ac: {  	[sflag:s23] =	ssyncset.done $0x0  }
0x1ad: {  	s6 =	simm.s32 $0x40;
	[sflag:s23] =	ssyncadd.s32 $0xFFFFF000  }
0x1ae: {  	v8 =	vld [tilespmem:s6+$0x30]  }
0x1af: {  	v9 =	vld [tilespmem:s6+$0xFFFFFFD0];
	_ =	sdelay $0x1  }
0x1b0: {  	v10 =	vld [tilespmem:s6+$0xFFFFFFC0];
	_ =	sdelay $0x1  }
0x1b1: {  	v11 =	vshrl.u32 v8, $0x1B  }
0x1b2: {  	v12 =	vshrl.u32 v9, $0x1B;
	v11 =	vand.u32 $0x10, v11  }
0x1b3: {  	s21 =	simm.s32 $0x0;
	v12 =	vand.u32 $0x10, v12;
	v8 =	vadd.s32 v8, v11  }
0x1b4: {  	s10 =	sand.u32 $0x7000, s21;
	s17 =	sand.u32 $0xC00, s21;
	v11 =	vshrl.u32 v10, $0x1B;
	v9 =	vadd.s32 v9, v12;
	v13 =	vperm.xlane v7, v8  }
0x1b5: {  	s20 =	sor.u32 s17, s10;
	v11 =	vand.u32 $0x10, v11;
	v14 =	vperm.xlane v5, v9  }
0x1b6: {  	v10 =	vadd.s32 v10, v11;
	v11 =	vperm.xlane v0, v9;
	[tilespmem:s20+$0x23F0] =	vst v13  }
0x1b7: {  	v12 =	vperm.xlane v0, v10;
	[tilespmem:s20+$0x2290] =	vst v14  }
0x1b8: {  	v13 =	vperm.xlane v1, v10;
	[tilespmem:s20+$0x2010] =	vst v11  }
0x1b9: {  	v11 =	vperm.xlane v2, v10;
	[tilespmem:s20+$0x2000] =	vst v12  }
0x1ba: {  	v12 =	vperm.xlane v3, v10;
	[tilespmem:s20+$0x2080] =	vst v13  }
0x1bb: {  	v13 =	vperm.xlane v4, v10;
	[tilespmem:s20+$0x2100] =	vst v11  }
0x1bc: {  	v11 =	vperm.xlane v5, v10;
	[tilespmem:s20+$0x2180] =	vst v12  }
0x1bd: {  	v12 =	vperm.xlane v6, v10;
	[tilespmem:s20+$0x2200] =	vst v13;
	v13 =	vld [tilespmem:s6+$0xFFFFFFE0]  }
0x1be: {  	v10 =	vperm.xlane v7, v10;
	[tilespmem:s20+$0x2280] =	vst v11  }
0x1bf: {  	v11 =	vperm.xlane v1, v9;
	[tilespmem:s20+$0x2300] =	vst v12  }
0x1c0: {  	v12 =	vperm.xlane v2, v9;
	[tilespmem:s20+$0x2380] =	vst v10  }
0x1c1: {  	v10 =	vperm.xlane v3, v9;
	[tilespmem:s20+$0x2090] =	vst v11  }
0x1c2: {  	v11 =	vperm.xlane v4, v9;
	[tilespmem:s20+$0x2110] =	vst v12;
	v12 =	vshrl.u32 v13, $0x1B  }
0x1c3: {  	[tilespmem:s20+$0x2190] =	vst v10;
	v10 =	vand.u32 $0x10, v12;
	v12 =	vperm.xlane v6, v9  }
0x1c4: {  	[tilespmem:s20+$0x2210] =	vst v11;
	v9 =	vperm.xlane v7, v9;
	v10 =	vadd.s32 v13, v10  }
0x1c5: {  	v11 =	vld [tilespmem:s6+$0xFFFFFFF0];
	v13 =	vperm.xlane v0, v10;
	[tilespmem:s20+$0x2310] =	vst v12  }
0x1c6: {  	v12 =	vperm.xlane v1, v10;
	[tilespmem:s20+$0x2390] =	vst v9  }
0x1c7: {  	v9 =	vperm.xlane v2, v10;
	[tilespmem:s20+$0x2020] =	vst v13  }
0x1c8: {  	v14 =	vperm.xlane v5, v10;
	[tilespmem:s20+$0x20A0] =	vst v12  }
0x1c9: {  	v13 =	vperm.xlane v3, v10;
	[tilespmem:s20+$0x2120] =	vst v9  }
0x1ca: {  	v12 =	vperm.xlane v4, v10;
	v9 =	vshrl.u32 v11, $0x1B;
	[tilespmem:s20+$0x22A0] =	vst v14  }
0x1cb: {  	v9 =	vand.u32 $0x10, v9;
	[tilespmem:s20+$0x21A0] =	vst v13;
	v13 =	vperm.xlane v6, v10  }
0x1cc: {  	[tilespmem:s20+$0x2220] =	vst v12;
	v9 =	vadd.s32 v11, v9;
	v10 =	vperm.xlane v7, v10  }
0x1cd: {  	v11 =	vld [tilespmem:s6+$0x0];
	v12 =	vperm.xlane v0, v9;
	[tilespmem:s20+$0x2320] =	vst v13  }
0x1ce: {  	v14 =	vperm.xlane v5, v9;
	[tilespmem:s20+$0x23A0] =	vst v10  }
0x1cf: {  	v13 =	vperm.xlane v1, v9;
	[tilespmem:s20+$0x2030] =	vst v12  }
0x1d0: {  	v10 =	vperm.xlane v2, v9;
	[tilespmem:s20+$0x22B0] =	vst v14  }
0x1d1: {  	v12 =	vperm.xlane v3, v9;
	[tilespmem:s20+$0x20B0] =	vst v13  }
0x1d2: {  	v15 =	vperm.xlane v6, v9;
	[tilespmem:s20+$0x2130] =	vst v10;
	v10 =	vshrl.u32 v11, $0x1B  }
0x1d3: {  	v13 =	vperm.xlane v4, v9;
	[tilespmem:s20+$0x21B0] =	vst v12;
	v12 =	vld [tilespmem:s6+$0x10];
	v10 =	vand.u32 $0x10, v10  }
0x1d4: {  	[tilespmem:s20+$0x2330] =	vst v15;
	v9 =	vperm.xlane v7, v9;
	v10 =	vadd.s32 v11, v10  }
0x1d5: {  	[tilespmem:s20+$0x2230] =	vst v13;
	v11 =	vperm.xlane v0, v10  }
0x1d6: {  	[tilespmem:s20+$0x23B0] =	vst v9;
	v13 =	vperm.xlane v1, v10  }
0x1d7: {  	v14 =	vperm.xlane v2, v10;
	[tilespmem:s20+$0x2040] =	vst v11  }
0x1d8: {  	v15 =	vperm.xlane v3, v10;
	v11 =	vshrl.u32 v12, $0x1B;
	[tilespmem:s20+$0x20C0] =	vst v13  }
0x1d9: {  	v9 =	vld [tilespmem:s6+$0x20];
	[tilespmem:s20+$0x2140] =	vst v14;
	v14 =	vperm.xlane v6, v10;
	v11 =	vand.u32 $0x10, v11  }
0x1da: {  	v13 =	vperm.xlane v4, v10;
	[tilespmem:s20+$0x21C0] =	vst v15;
	v11 =	vadd.s32 v12, v11;
	v12 =	vperm.xlane v5, v10  }
0x1db: {  	v10 =	vperm.xlane v7, v10;
	[tilespmem:s20+$0x2340] =	vst v14;
	v14 =	vperm.xlane v1, v8  }
0x1dc: {  	[tilespmem:s20+$0x2240] =	vst v13;
	v15 =	vperm.xlane v0, v11;
	v16 =	vperm.xlane v1, v11  }
0x1dd: {  	v17 =	vperm.xlane v2, v11;
	v24 =	vperm.xlane v4, v11;
	[tilespmem:s20+$0x22C0] =	vst v12  }
0x1de: {  	v13 =	vshrl.u32 v9, $0x1B;
	v25 =	vperm.xlane v6, v11;
	v26 =	vperm.xlane v7, v11;
	[tilespmem:s20+$0x23C0] =	vst v10  }
0x1df: {  	v12 =	vand.u32 $0x10, v13;
	v13 =	vperm.xlane v3, v11;
	v10 =	vperm.xlane v5, v8;
	[tilespmem:s20+$0x2050] =	vst v15  }
0x1e0: {  	v9 =	vadd.s32 v9, v12;
	v12 =	vperm.xlane v5, v11;
	[tilespmem:s20+$0x20D0] =	vst v16;
	v15 =	vperm.xlane v0, v8  }
0x1e1: {  	[tilespmem:s20+$0x2150] =	vst v17;
	v11 =	vperm.xlane v4, v8;
	v23 =	vperm.xlane v0, v9  }
0x1e2: {  	[tilespmem:s20+$0x2250] =	vst v24;
	v21 =	vperm.xlane v1, v9;
	v22 =	vperm.xlane v2, v9  }
0x1e3: {  	[tilespmem:s20+$0x2350] =	vst v25;
	v19 =	vperm.xlane v3, v9;
	v20 =	vperm.xlane v4, v9  }
0x1e4: {  	[tilespmem:s20+$0x23D0] =	vst v26;
	v18 =	vperm.xlane v5, v9;
	v17 =	vperm.xlane v6, v9  }
0x1e5: {  	[tilespmem:s20+$0x21D0] =	vst v13;
	v16 =	vperm.xlane v7, v9;
	v13 =	vperm.xlane v2, v8  }
0x1e6: {  	s22 =	simm.s32 $0x0;
	s17 =	simm.s32 $0x0;
	s6 =	simm.s32 $0xC0;
	v9 =	vperm.xlane v6, v8;
	[tilespmem:s20+$0x22D0] =	vst v12;
	v12 =	vperm.xlane v3, v8  }
.LBB2_9:
0x1e7: {  	v8 =	vld [tilespmem:s6+$0x30];
	s22 =	sadd.s32 $0x8, s22;
	[tilespmem:s20+$0x2060] =	vst v23  }
0x1e8: {  	v23 =	vld [tilespmem:s6+$0xFFFFFFD0];
	p0 =	slt.u32 s22, $0xF8;
	[tilespmem:s20+$0x20E0] =	vst v21  }
0x1e9: {  	v21 =	vld [tilespmem:s6+$0xFFFFFFE0];
	[tilespmem:s20+$0x2160] =	vst v22  }
0x1ea: {  	v22 =	vld [tilespmem:s6+$0xFFFFFFF0];
	[tilespmem:s20+$0x21E0] =	vst v19  }
0x1eb: {  	v19 =	vld [tilespmem:s6+$0x0];
	[tilespmem:s20+$0x2260] =	vst v20  }
0x1ec: {  	v20 =	vld [tilespmem:s6+$0x10];
	v24 =	vshrl.u32 v8, $0x1B;
	[tilespmem:s20+$0x22E0] =	vst v18  }
0x1ed: {  	v18 =	vshrl.u32 v23, $0x1B;
	v25 =	vld [tilespmem:s6+$0x20];
	v24 =	vand.u32 $0x10, v24;
	[tilespmem:s20+$0x2360] =	vst v17  }
0x1ee: {  	s21 =	sadd.s32 $0x80, s21;
	s17 =	sadd.s32 $0x1000, s17;
	v17 =	vld [tilespmem:s6+$0xFFFFFFC0];
	v18 =	vand.u32 $0x10, v18;
	v26 =	vshrl.u32 v21, $0x1B;
	v8 =	vadd.s32 v8, v24;
	[tilespmem:s20+$0x23E0] =	vst v16  }
0x1ef: {  	s10 =	sand.u32 $0x7000, s17;
	s18 =	sand.u32 $0xC00, s21;
	v16 =	vand.u32 $0x10, v26;
	v24 =	vshrl.u32 v22, $0x1B;
	v26 =	vperm.xlane v7, v8;
	[tilespmem:s20+$0x2070] =	vst v15  }
0x1f0: {  	s10 =	sor.u32 s18, s10;
	v15 =	vadd.s32 v23, v18;
	v18 =	vand.u32 $0x10, v24;
	v23 =	vshrl.u32 v19, $0x1B;
	[tilespmem:s20+$0x20F0] =	vst v14  }
0x1f1: {  	v14 =	vadd.s32 v21, v16;
	v16 =	vand.u32 $0x10, v23;
	v21 =	vshrl.u32 v20, $0x1B;
	[tilespmem:s10+$0x23F0] =	vst v26  }
0x1f2: {  	v18 =	vadd.s32 v22, v18;
	v21 =	vand.u32 $0x10, v21;
	v22 =	vshrl.u32 v25, $0x1B;
	[tilespmem:s20+$0x2170] =	vst v13  }
0x1f3: {  	v16 =	vadd.s32 v19, v16;
	v13 =	vshrl.u32 v17, $0x1B;
	v19 =	vand.u32 $0x10, v22;
	[tilespmem:s20+$0x21F0] =	vst v12  }
0x1f4: {  	v12 =	vand.u32 $0x10, v13;
	v13 =	vadd.s32 v20, v21;
	v24 =	vadd.s32 v25, v19;
	[tilespmem:s20+$0x2270] =	vst v11  }
0x1f5: {  	v11 =	vadd.s32 v17, v12;
	v12 =	vperm.xlane v0, v15;
	v17 =	vperm.xlane v1, v15;
	[tilespmem:s20+$0x22F0] =	vst v10  }
0x1f6: {  	v10 =	vperm.xlane v0, v11;
	v19 =	vperm.xlane v1, v11;
	[tilespmem:s20+$0x2370] =	vst v9;
	s20 =	smov.u32 s10  }
0x1f7: {  	v9 =	vperm.xlane v2, v11;
	v20 =	vperm.xlane v3, v11;
	[tilespmem:s20+$0x2010] =	vst v12  }
0x1f8: {  	v12 =	vperm.xlane v5, v11;
	[tilespmem:s20+$0x2000] =	vst v10;
	v10 =	vperm.xlane v4, v11  }
0x1f9: {  	[tilespmem:s20+$0x2080] =	vst v19;
	v19 =	vperm.xlane v6, v11;
	v11 =	vperm.xlane v7, v11  }
0x1fa: {  	v21 =	vperm.xlane v3, v15;
	[tilespmem:s20+$0x2100] =	vst v9;
	v9 =	vperm.xlane v2, v15  }
0x1fb: {  	v22 =	vperm.xlane v5, v15;
	[tilespmem:s20+$0x2180] =	vst v20;
	v20 =	vperm.xlane v4, v15  }
0x1fc: {  	[tilespmem:s20+$0x2200] =	vst v10;
	v10 =	vperm.xlane v6, v15;
	v15 =	vperm.xlane v7, v15  }
0x1fd: {  	v23 =	vperm.xlane v1, v14;
	[tilespmem:s20+$0x2280] =	vst v12;
	v12 =	vperm.xlane v0, v14  }
0x1fe: {  	v25 =	vperm.xlane v3, v14;
	[tilespmem:s20+$0x2300] =	vst v19;
	v19 =	vperm.xlane v2, v14  }
0x1ff: {  	v26 =	vperm.xlane v5, v14;
	[tilespmem:s20+$0x2380] =	vst v11;
	v11 =	vperm.xlane v4, v14  }
0x200: {  	[tilespmem:s20+$0x2090] =	vst v17;
	v17 =	vperm.xlane v6, v14;
	v14 =	vperm.xlane v7, v14  }
0x201: {  	v27 =	vperm.xlane v1, v18;
	[tilespmem:s20+$0x2110] =	vst v9;
	v9 =	vperm.xlane v0, v18  }
0x202: {  	v28 =	vperm.xlane v2, v18;
	v29 =	vperm.xlane v3, v18;
	[tilespmem:s20+$0x2190] =	vst v21  }
0x203: {  	v30 =	vperm.xlane v4, v18;
	v31 =	vperm.xlane v5, v18;
	[tilespmem:s20+$0x2210] =	vst v20  }
0x204: {  	v32 =	vperm.xlane v6, v18;
	v33 =	vperm.xlane v7, v18;
	[tilespmem:s20+$0x2290] =	vst v22  }
0x205: {  	v34 =	vperm.xlane v0, v16;
	v35 =	vperm.xlane v1, v16;
	[tilespmem:s20+$0x2310] =	vst v10  }
0x206: {  	v36 =	vperm.xlane v2, v16;
	v37 =	vperm.xlane v3, v16;
	[tilespmem:s20+$0x2390] =	vst v15  }
0x207: {  	v38 =	vperm.xlane v4, v16;
	v39 =	vperm.xlane v5, v16;
	[tilespmem:s20+$0x2020] =	vst v12  }
0x208: {  	v40 =	vperm.xlane v6, v16;
	v41 =	vperm.xlane v7, v16;
	[tilespmem:s20+$0x20A0] =	vst v23  }
0x209: {  	v42 =	vperm.xlane v0, v13;
	v43 =	vperm.xlane v1, v13;
	[tilespmem:s20+$0x2120] =	vst v19  }
0x20a: {  	v44 =	vperm.xlane v3, v13;
	[tilespmem:s20+$0x21A0] =	vst v25;
	v25 =	vperm.xlane v2, v13  }
0x20b: {  	v45 =	vperm.xlane v4, v13;
	v46 =	vperm.xlane v5, v13;
	[tilespmem:s20+$0x2220] =	vst v11  }
0x20c: {  	v47 =	vperm.xlane v7, v13;
	[tilespmem:s20+$0x22A0] =	vst v26;
	v26 =	vperm.xlane v6, v13  }
0x20d: {  	v21 =	vperm.xlane v1, v24;
	v23 =	vperm.xlane v0, v24;
	[tilespmem:s20+$0x2320] =	vst v17  }
0x20e: {  	v22 =	vperm.xlane v2, v24;
	v19 =	vperm.xlane v3, v24;
	[tilespmem:s20+$0x23A0] =	vst v14  }
0x20f: {  	v18 =	vperm.xlane v5, v24;
	v20 =	vperm.xlane v4, v24;
	[tilespmem:s20+$0x2030] =	vst v9  }
0x210: {  	v16 =	vperm.xlane v7, v24;
	v17 =	vperm.xlane v6, v24;
	[tilespmem:s20+$0x20B0] =	vst v27  }
0x211: {  	v15 =	vperm.xlane v0, v8;
	v14 =	vperm.xlane v1, v8;
	[tilespmem:s20+$0x2130] =	vst v28  }
0x212: {  	v12 =	vperm.xlane v3, v8;
	v13 =	vperm.xlane v2, v8;
	[tilespmem:s20+$0x21B0] =	vst v29  }
0x213: {  	v10 =	vperm.xlane v5, v8;
	v11 =	vperm.xlane v4, v8;
	[tilespmem:s20+$0x2230] =	vst v30  }
0x214: {  	v9 =	vperm.xlane v6, v8;
	[tilespmem:s20+$0x22B0] =	vst v31  }
0x215: {  	[tilespmem:s20+$0x2330] =	vst v32  }
0x216: {  	[tilespmem:s20+$0x23B0] =	vst v33  }
0x217: {  	[tilespmem:s20+$0x2040] =	vst v34  }
0x218: {  	[tilespmem:s20+$0x20C0] =	vst v35  }
0x219: {  	[tilespmem:s20+$0x2140] =	vst v36  }
0x21a: {  	[tilespmem:s20+$0x21C0] =	vst v37  }
0x21b: {  	[tilespmem:s20+$0x2240] =	vst v38  }
0x21c: {  	[tilespmem:s20+$0x22C0] =	vst v39  }
0x21d: {  	[tilespmem:s20+$0x2340] =	vst v40  }
0x21e: {  	[tilespmem:s20+$0x23C0] =	vst v41  }
0x21f: {  	[tilespmem:s20+$0x2050] =	vst v42  }
0x220: {  	[tilespmem:s20+$0x20D0] =	vst v43  }
0x221: {  	[tilespmem:s20+$0x2150] =	vst v25  }
.Ltmp4:
0x222: {  	[tilespmem:s20+$0x21D0] =	vst v44;
	(pc) =	sbr.rel @p0 .LBB2_9-.Ltmp4, $4  }
0x223: {  	[tilespmem:s20+$0x2250] =	vst v45  }
0x224: {  	[tilespmem:s20+$0x22D0] =	vst v46  }
0x225: {  	[tilespmem:s20+$0x2350] =	vst v26  }
0x226: {  	s6 =	sadd.s32 $0x80, s6;
	[tilespmem:s20+$0x23D0] =	vst v47  }
0x227: {  	[tilespmem:s20+$0x2060] =	vst v23  }
0x228: {  	[tilespmem:s20+$0x20E0] =	vst v21  }
0x229: {  	[tilespmem:s20+$0x2160] =	vst v22  }
0x22a: {  	[tilespmem:s20+$0x21E0] =	vst v19  }
0x22b: {  	[tilespmem:s20+$0x2260] =	vst v20  }
0x22c: {  	[tilespmem:s20+$0x22E0] =	vst v18  }
0x22d: {  	[tilespmem:s20+$0x2360] =	vst v17  }
0x22e: {  	[tilespmem:s20+$0x23E0] =	vst v16  }
0x22f: {  	[tilespmem:s20+$0x2070] =	vst v15  }
0x230: {  	[tilespmem:s20+$0x20F0] =	vst v14  }
0x231: {  	[tilespmem:s20+$0x2170] =	vst v13  }
0x232: {  	[tilespmem:s20+$0x21F0] =	vst v12  }
0x233: {  	[tilespmem:s20+$0x2270] =	vst v11  }
0x234: {  	[tilespmem:s20+$0x22F0] =	vst v10  }
0x235: {  	[tilespmem:s20+$0x2370] =	vst v9  }
0x236: {  	s10 =	simm.s32 $0x2000;
	s6 =	rddreg [dreg:$0x8]  }
0x237: {  	[hbm4b:s6+s4] =	stream.linear.scatter [tilespmem:s10], [sflag:$0x3], $0x1000, $0x38;
	[tilespmem:$0x12080] =	vst v63  }
0x238: {  	s25 =	simm.s32 $0x3000;
	s24 =	rddreg [dreg:$0x9]  }
0x239: {  	[hbm4b:s24+s4] =	stream.linear.scatter [tilespmem:s25], [sflag:$0x3], $0x1000, $0x38;
	[tilespmem:$0x12080] =	vst v63  }
0x23a: {  	s17 =	simm.s32 $0x4000;
	s10 =	rddreg [dreg:$0xa]  }
0x23b: {  	[hbm4b:s10+s4] =	stream.linear.scatter [tilespmem:s17], [sflag:$0x3], $0x1000, $0x38;
	[tilespmem:$0x12080] =	vst v63  }
0x23c: {  	s20 =	simm.s32 $0x5000;
	s18 =	rddreg [dreg:$0xb]  }
0x23d: {  	[hbm4b:s18+s4] =	stream.linear.scatter [tilespmem:s20], [sflag:$0x3], $0x1000, $0x38;
	[tilespmem:$0x12080] =	vst v63  }
0x23e: {  	s22 =	simm.s32 $0x6000;
	s21 =	rddreg [dreg:$0xc]  }
0x23f: {  	[hbm4b:s21+s4] =	stream.linear.scatter [tilespmem:s22], [sflag:$0x3], $0x1000, $0x38;
	[tilespmem:$0x12080] =	vst v63  }
0x240: {  	s24 =	rddreg [dreg:$0xd];
	s25 =	simm.s32 $0x7000  }
0x241: {  	[hbm4b:s24+s4] =	stream.linear.scatter [tilespmem:s25], [sflag:$0x3], $0x1000, $0x38;
	[tilespmem:$0x12080] =	vst v63  }
0x242: {  	s17 =	rddreg [dreg:$0xe];
	s18 =	simm.s32 $0x8000  }
0x243: {  	[hbm4b:s17+s4] =	stream.linear.scatter [tilespmem:s18], [sflag:$0x3], $0x1000, $0x38;
	[tilespmem:$0x12080] =	vst v63  }
0x244: {  	s20 =	rddreg [dreg:$0xf];
	s21 =	simm.s32 $0x9000;
	s22 =	simm.s32 $0x4  }
0x245: {  	[hbm4b:s20+s4] =	stream.linear.scatter [tilespmem:s21], [sflag:$0x3], $0x1000, $0x38;
	[tilespmem:$0x12080] =	vst v63  }
0x246: {  	_ =	swait.ge [sflag:s22], $0x1000  }
0x247: {  	[sflag:s22] =	ssyncset.done $0x0  }
0x248: {  	[sflag:s22] =	ssyncadd.s32 $0xFFFFF000  }
0x249: {  	_ =	swait.ge [sflag:s22], $0x1000  }
0x24a: {  	[sflag:s22] =	ssyncset.done $0x0  }
0x24b: {  	[sflag:s22] =	ssyncadd.s32 $0xFFFFF000  }
0x24c: {  	_ =	swait.ge [sflag:s22], $0x1000  }
0x24d: {  	[sflag:s22] =	ssyncset.done $0x0  }
0x24e: {  	[sflag:s22] =	ssyncadd.s32 $0xFFFFF000  }
0x24f: {  	_ =	swait.ge [sflag:s22], $0x1000  }
0x250: {  	[sflag:s22] =	ssyncset.done $0x0  }
0x251: {  	[sflag:s22] =	ssyncadd.s32 $0xFFFFF000  }
0x252: {  	_ =	swait.ge [sflag:s22], $0x1000  }
0x253: {  	[sflag:s22] =	ssyncset.done $0x0  }
0x254: {  	[sflag:s22] =	ssyncadd.s32 $0xFFFFF000  }
0x255: {  	_ =	swait.ge [sflag:s22], $0x1000  }
0x256: {  	[sflag:s22] =	ssyncset.done $0x0  }
0x257: {  	[sflag:s22] =	ssyncadd.s32 $0xFFFFF000  }
0x258: {  	_ =	swait.ge [sflag:s22], $0x1000  }
0x259: {  	[sflag:s22] =	ssyncset.done $0x0  }
0x25a: {  	[sflag:s22] =	ssyncadd.s32 $0xFFFFF000  }
0x25b: {  	_ =	swait.ge [sflag:s22], $0x1000  }
0x25c: {  	[sflag:s22] =	ssyncset.done $0x0  }
0x25d: {  	[sflag:s22] =	ssyncadd.s32 $0xFFFFF000  }
0x25e: {  	_ =	swait.ge [sflag:s23], $0x1000  }
0x25f: {  	[sflag:s23] =	ssyncset.done $0x0  }
0x260: {  	[sflag:s23] =	ssyncadd.s32 $0xFFFFF000  }
0x261: {  	_ =	swait.ge [sflag:s23], $0x1000  }
0x262: {  	[sflag:s23] =	ssyncset.done $0x0  }
0x263: {  	[sflag:s23] =	ssyncadd.s32 $0xFFFFF000  }
0x264: {  	_ =	swait.ge [sflag:s23], $0x1000  }
0x265: {  	[sflag:s23] =	ssyncset.done $0x0  }
0x266: {  	[sflag:s23] =	ssyncadd.s32 $0xFFFFF000  }
0x267: {  	_ =	swait.ge [sflag:s23], $0x1000  }
0x268: {  	[sflag:s23] =	ssyncset.done $0x0  }
0x269: {  	[sflag:s23] =	ssyncadd.s32 $0xFFFFF000  }
0x26a: {  	_ =	swait.ge [sflag:s23], $0x1000  }
0x26b: {  	[sflag:s23] =	ssyncset.done $0x0  }
0x26c: {  	[sflag:s23] =	ssyncadd.s32 $0xFFFFF000  }
0x26d: {  	_ =	swait.ge [sflag:s23], $0x1000  }
0x26e: {  	[sflag:s23] =	ssyncset.done $0x0  }
0x26f: {  	[sflag:s23] =	ssyncadd.s32 $0xFFFFF000  }
0x270: {  	_ =	swait.ge [sflag:s23], $0x1000  }
0x271: {  	[sflag:s23] =	ssyncset.done $0x0  }
0x272: {  	[sflag:s23] =	ssyncadd.s32 $0xFFFFF000  }
0x273: {  	_ =	swait.ge [sflag:s23], $0x1000  }
0x274: {  	s24 =	rddreg [dreg:$0x11]  }
0x275: {  	s25 =	rddreg [dreg:$0x10];
	s10 =	sadd.s32 $0x1, s24  }
0x276: {  	p0 =	sne.s32 s10, s25  }
.Ltmp5:
0x277: {  	_ = 	snop;
	(pc) =	sbr.rel @p0 .LBB2_1-.Ltmp5, $3  }
0x278: {  	_ =	sdelay $0x1  }
0x279: {  	[sflag:s23] =	ssyncset.done $0x0  }
0x27a: {  	[sflag:s23] =	ssyncadd.s32 $0xFFFFF000  }
0x27b: {  	_ =	sfence.sel $0x180000  }
0x27c: {  	[bflag:$0x0] =	sbarrier.arrive $0xFFFF  }
0x27d: {  	_ =	strace $0x90000047  }
0x27e: {  	s0 =	stileid.u32;
	[bflag:$0x2] =	sbarrier.arrive $0xFFFF  }
0x27f: {  	p0 =	sne.s32 s0, $0x0;
	s0 =	rddreg [dreg:$0x3]  }
0x280: {  	s0 =	sadd.s32 @!p0 $0x100000, s0  }
0x281: {  	[sflag:s0] =	ssyncadd.tile.s32 @!p0 $0x1;
	_ =	shalt  }
.Lfunc_end2:
_tile_overlayer_lowered:
.L_overlay_start_2:
0x282: {  	(tag) =	ssettag $0x2  }
0x283: {  	s0 =	rddreg [dreg:$0x0];
	s2 =	stileid.u32  }
0x284: {  	s1 =	rddreg [dreg:$0x1];
	p0 =	sne.s32 s2, $0x0  }
0x285: {  	s3 =	rddreg [dreg:$0x2];
	[bflag:$0x3] =	sbarrier.arrive $0xFFFF;
	s2 =	simm.s32 @!p0 $0x1C05  }
0x286: {  	[timem:s3], [sflag:s2] =	dma.local @!p0 [hbm:s0], s1  }
0x287: {  	s0 =	simm.s32 @!p0 $0x5  }
0x288: {  	_ =	swait.ge @!p0 [sflag:s0], s1  }
0x289: {  	s1 =	ssub.s32 @!p0 $0x0, s1;
	[sflag:s0] =	ssyncset.done @!p0 $0x0  }
0x28a: {  	[sflag:s0] =	ssyncadd.s32 @!p0 s1  }
0x28b: {  	[bflag:$0x3] =	sbarrier.arrive $0xFFFF  }
0x28c: {  	_ =	shalt  }

</sc_bundles>
